<compile_context>
chip_gen: v7x
topology: tpu7x:2x2x1
jax: 0.10.2.dev20260603
libtpu: 0.0.44.dev20260713+nightly
codegen_flags: <defaults>
</compile_context>

<pallas_src>
import functools

import jax
import jax.numpy as jnp
from jax import lax
from jax.experimental import pallas as pl
from jax.experimental.pallas import tpu as pltpu
from jax.experimental.pallas import tpu_sc as plsc

N_NODES = 10000
NP = 10240
EP = 323584
BLK = 1024
NRB = NP // BLK
RPT = NP // 16
EB = 128

_MESH = plsc.VectorSubcoreMesh(core_axis_name="c", subcore_axis_name="s")
_SC_PARAMS = pltpu.CompilerParams(needs_layout_passes=False)


def _deg_body(dst_hbm, deg_out, dst_v, deg_v):
    c = lax.axis_index("c")
    s = lax.axis_index("s")
    wid = c * 16 + s
    ept = EP // 32

    def zero(i, _):
        deg_v[pl.ds(i * 16, 16)] = jnp.zeros((16,), jnp.float32)
        return 0

    lax.fori_loop(0, NP // 16, zero, 0)
    pltpu.sync_copy(dst_hbm.at[pl.ds(wid * ept, ept)], dst_v)
    ones = jnp.ones((16,), jnp.float32)

    def hist(i, _):
        idx = dst_v[pl.ds(i * 16, 16)]
        plsc.addupdate_scatter(deg_v, [idx], ones)
        return 0

    lax.fori_loop(0, ept // 16, hist, 0)
    pltpu.sync_copy(deg_v, deg_out.at[wid])


_deg_call = pl.kernel(
    _deg_body,
    out_type=jax.ShapeDtypeStruct((32, NP), jnp.float32),
    mesh=_MESH,
    scratch_types=[
        pltpu.VMEM((EP // 32,), jnp.int32),
        pltpu.VMEM((NP,), jnp.float32),
    ],
    compiler_params=_SC_PARAMS,
)


def _agg_body(feature_split, zp_hbm, src_hbm, dst_hbm, acc_out,
              idx_s, idx_d, rows, acc_sh, sem):
    c = lax.axis_index("c")
    s = lax.axis_index("s")
    if feature_split:
        pltpu.sync_copy(zp_hbm.at[pl.ds(c * NP + s * RPT, RPT)],
                        acc_sh.at[pl.ds(s * RPT, RPT)])
        ept = EP // 16
        ebase = s * ept
    else:
        def zrow(i, _):
            rows[i % EB, pl.ds((i // EB) * 16, 16)] = jnp.zeros((16,),
                                                               jnp.float32)
            return 0

        lax.fori_loop(0, EB * 8, zrow, 0)
        for k in range(RPT // EB):
            pltpu.sync_copy(rows, acc_sh.at[pl.ds(s * RPT + k * EB, EB)])
        ept = EP // 32
        ebase = c * (EP // 2) + s * ept
    plsc.subcore_barrier()

    def body(b, _):
        off = ebase + b * EB
        if feature_split:
            pltpu.sync_copy(src_hbm.at[c, pl.ds(off, EB)], idx_s)
        else:
            pltpu.sync_copy(src_hbm.at[pl.ds(off, EB)], idx_s)
        pltpu.sync_copy(dst_hbm.at[pl.ds(off, EB)], idx_d)
        pltpu.async_copy(zp_hbm.at[idx_s], rows, sem).wait()
        pltpu.sync_copy(rows, acc_sh.at[idx_d], add=True)
        return 0

    lax.fori_loop(0, ept // EB, body, 0)
    plsc.subcore_barrier()
    pltpu.sync_copy(acc_sh.at[pl.ds(s * RPT, RPT)],
                    acc_out.at[pl.ds(c * NP + s * RPT, RPT)])


def _make_agg(feature_split):
    return pl.kernel(
        functools.partial(_agg_body, feature_split),
        out_type=jax.ShapeDtypeStruct((2 * NP, 128), jnp.float32),
        mesh=_MESH,
        scratch_types=[
            pltpu.VMEM((EB,), jnp.int32),
            pltpu.VMEM((EB,), jnp.int32),
            pltpu.VMEM((EB, 128), jnp.float32),
            pltpu.VMEM_SHARED((NP, 128), jnp.float32),
            pltpu.SemaphoreType.DMA,
        ],
        compiler_params=_SC_PARAMS,
    )


_agg_fs_call = _make_agg(True)
_agg_es_call = _make_agg(False)


def _dinv_body(degs_ref, out_ref):
    deg = jnp.sum(degs_ref[...], axis=0, keepdims=True) + 1.0
    dinv = lax.rsqrt(deg)
    col = jnp.reshape(dinv, (BLK, 1))
    out_ref[...] = jnp.broadcast_to(col, (BLK, 128))


def _dinv_call(degs):
    return pl.pallas_call(
        _dinv_body,
        grid=(NRB,),
        in_specs=[pl.BlockSpec((32, BLK), lambda i: (0, i))],
        out_specs=pl.BlockSpec((BLK, 128), lambda i: (i, 0)),
        out_shape=jax.ShapeDtypeStruct((NP, 128), jnp.float32),
    )(degs)


def _mm1_body(x_ref, w_ref, dinv_ref, out_ref):
    xw = jnp.dot(x_ref[...], w_ref[...], preferred_element_type=jnp.float32)
    out_ref[...] = xw * dinv_ref[...]


def _mm1_call(xp, W1, dinvb):
    return pl.pallas_call(
        _mm1_body,
        grid=(2, NRB),
        in_specs=[
            pl.BlockSpec((BLK, 128), lambda cb, rb: (rb, 0)),
            pl.BlockSpec((128, 128), lambda cb, rb: (0, cb)),
            pl.BlockSpec((BLK, 128), lambda cb, rb: (rb, 0)),
        ],
        out_specs=pl.BlockSpec((BLK, 128), lambda cb, rb: (cb * NRB + rb, 0)),
        out_shape=jax.ShapeDtypeStruct((2 * NP, 128), jnp.float32),
    )(xp, W1, dinvb)


def _mm2_body(accA_ref, accB_ref, dinv_ref, w2_ref, b1_ref, out_ref):
    dinv = dinv_ref[...]
    hA = jnp.maximum(accA_ref[...] * dinv + b1_ref[0:1, 0:128], 0.0)
    hB = jnp.maximum(accB_ref[...] * dinv + b1_ref[0:1, 128:256], 0.0)
    z = jnp.dot(hA, w2_ref[0:128, :], preferred_element_type=jnp.float32)
    z = z + jnp.dot(hB, w2_ref[128:256, :],
                    preferred_element_type=jnp.float32)
    out_ref[...] = z * dinv


def _mm2_call(acc1, dinvb, W2, b1m):
    return pl.pallas_call(
        _mm2_body,
        grid=(NRB,),
        in_specs=[
            pl.BlockSpec((BLK, 128), lambda rb: (rb, 0)),
            pl.BlockSpec((BLK, 128), lambda rb: (NRB + rb, 0)),
            pl.BlockSpec((BLK, 128), lambda rb: (rb, 0)),
            pl.BlockSpec((256, 128), lambda rb: (0, 0)),
            pl.BlockSpec((8, 256), lambda rb: (0, 0)),
        ],
        out_specs=pl.BlockSpec((BLK, 128), lambda rb: (rb, 0)),
        out_shape=jax.ShapeDtypeStruct((NP, 128), jnp.float32),
    )(acc1, acc1, dinvb, W2, b1m)


def _fin_body(p0_ref, p1_ref, z2_ref, dinv_ref, b2_ref, out_ref):
    agg = p0_ref[...] + p1_ref[...] + z2_ref[...]
    out_ref[...] = agg * dinv_ref[...] + b2_ref[0:1, :]


def _fin_call(parts, z2p, dinvb, b2m):
    return pl.pallas_call(
        _fin_body,
        grid=(NRB,),
        in_specs=[
            pl.BlockSpec((BLK, 128), lambda rb: (rb, 0)),
            pl.BlockSpec((BLK, 128), lambda rb: (NRB + rb, 0)),
            pl.BlockSpec((BLK, 128), lambda rb: (rb, 0)),
            pl.BlockSpec((BLK, 128), lambda rb: (rb, 0)),
            pl.BlockSpec((8, 128), lambda rb: (0, 0)),
        ],
        out_specs=pl.BlockSpec((BLK, 128), lambda rb: (rb, 0)),
        out_shape=jax.ShapeDtypeStruct((NP, 128), jnp.float32),
    )(parts, parts, z2p, dinvb, b2m)


def kernel(x, edge_index, W1, b1, W2, b2):
    src = edge_index[0].astype(jnp.int32)
    dst = edge_index[1].astype(jnp.int32)
    pad_e = EP - src.shape[0]
    padv = jnp.full((pad_e,), NP - 1, jnp.int32)
    src_p = jnp.concatenate([src, padv])
    dst_p = jnp.concatenate([dst, padv])
    src2 = jnp.stack([src_p, src_p + NP])
    xp = jnp.pad(x, ((0, NP - N_NODES), (0, 0)))
    b1m = jnp.tile(b1[None, :], (8, 1))
    b2m = jnp.tile(b2[None, :], (8, 1))

    degs = _deg_call(dst_p)
    dinvb = _dinv_call(degs)
    z1p = _mm1_call(xp, W1, dinvb)
    acc1 = _agg_fs_call(z1p, src2, dst_p)
    z2p = _mm2_call(acc1, dinvb, W2, b1m)
    parts = _agg_es_call(z2p, src_p, dst_p)
    outp = _fin_call(parts, z2p, dinvb, b2m)
    return outp[:N_NODES]

# --- scband reference (transcript-rebuilt; emitter-appended) ---
"""Pipeline reference for scband-encoder-40166534152506 (READ-ONLY COPY).

The authoritative reference and input builder live on the scoring server;
editing this copy changes nothing except your own understanding.
"""

import jax, jax.numpy as jnp
import numpy as np

N_NODES = 10000
IN_CH = 128
OUT_CH = 128
N_EDGES = 320000


def gcn_conv(x, src, dst, W, b, num_nodes):
    # linear transform (PyG GCNConv: lin without bias, bias added after aggregation)
    xw = x @ W
    # add self loops
    loop = jnp.arange(num_nodes, dtype=src.dtype)
    s = jnp.concatenate([src, loop])
    d = jnp.concatenate([dst, loop])
    # symmetric normalization deg^-0.5[src] * deg^-0.5[dst]
    ones = jnp.ones(s.shape[0], dtype=xw.dtype)
    deg = jnp.zeros(num_nodes, dtype=xw.dtype).at[d].add(ones)
    dinv = jnp.where(deg > 0, deg ** -0.5, 0.0)
    norm = dinv[s] * dinv[d]
    # gather messages from source nodes, scale, scatter-add to destination
    msg = xw[s] * norm[:, None]
    out = jnp.zeros((num_nodes, xw.shape[1]), dtype=xw.dtype).at[d].add(msg)
    return out + b


def setup_inputs(seed: int = 0) -> dict:
    key = jax.random.key(seed)
    k1, k2, k3, k4, k5 = jax.random.split(key, 5)
    x = jax.random.normal(k1, (N_NODES, IN_CH), dtype=jnp.float32)
    edge_index = jax.random.randint(k2, (2, N_EDGES), 0, N_NODES, dtype=jnp.int64)
    # conv1: in_channels -> 2*out_channels
    W1 = jax.random.normal(k3, (IN_CH, 2 * OUT_CH), dtype=jnp.float32) * (1.0 / np.sqrt(IN_CH))
    b1 = jnp.zeros((2 * OUT_CH,), dtype=jnp.float32)
    # conv2: 2*out_channels -> out_channels (GAE path)
    W2 = jax.random.normal(k4, (2 * OUT_CH, OUT_CH), dtype=jnp.float32) * (1.0 / np.sqrt(2 * OUT_CH))
    b2 = jnp.zeros((OUT_CH,), dtype=jnp.float32)
    return {"x": x, "edge_index": edge_index, "W1": W1, "b1": b1, "W2": W2, "b2": b2}


def reference(x, edge_index, W1, b1, W2, b2):
    src, dst = edge_index[0], edge_index[1]
    h = gcn_conv(x, src, dst, W1, b1, N_NODES)
    h = jax.nn.relu(h)
    out = gcn_conv(h, src, dst, W2, b2, N_NODES)
    return out

if __name__ == "__main__":
    import jax
    _d = setup_inputs()
    print(jax.jit(kernel)(*tuple(_d.values())))

</pallas_src>

<mosaic_0001>
#map = affine_map<(d0, d1) -> (0, 0)>
#map1 = affine_map<(d0, d1) -> (0)>
module attributes {stable_mosaic.version = 14 : i64} {
  func.func @_agg_body(%arg0: i32, %arg1: i32, %arg2: memref<20480x128xf32, #tpu.memory_space<hbm>>, %arg3: memref<2x323584xi32, #tpu.memory_space<hbm>>, %arg4: memref<323584xi32, #tpu.memory_space<hbm>>, %arg5: memref<20480x128xf32, #tpu.memory_space<hbm>>, %arg6: memref<128xi32, #tpu.memory_space<vmem>>, %arg7: memref<128xi32, #tpu.memory_space<vmem>>, %arg8: memref<128x128xf32, #tpu.memory_space<vmem>>, %arg9: memref<10240x128xf32, #tpu.memory_space<vmem_shared>>, %arg10: memref<!tpu.dma_semaphore, #tpu.memory_space<semaphore_mem>>) attributes {dimension_semantics = [#tpu.dimension_semantics<core_parallel>, #tpu.dimension_semantics<subcore_parallel>], iteration_bounds = array<i64: 2, 16>, scalar_prefetch = 0 : i64, scratch_operands = 5 : i64, tpu.core_type = #tpu.core_type<sc_vector_subcore>, window_params = [{transform_indices = #map}, {transform_indices = #map}, {transform_indices = #map1}, {transform_indices = #map}]} {
    %mul3A = arith.constant 10240 : i32
    %mul3A_0 = arith.muli %arg0, %mul3A : i32
    %mul3A_1 = arith.constant 640 : i32
    %mul3A_2 = arith.muli %arg1, %mul3A_1 : i32
    %add3A = arith.addi %mul3A_0, %mul3A_2 : i32
    %mul3A_3 = arith.constant 640 : i32
    %mul3A_4 = arith.muli %arg1, %mul3A_3 : i32
    "tpu.region"() ({
      %run_scoped3A = tpu.sem_alloc : memref<!tpu.dma_semaphore, #tpu.memory_space<semaphore_mem>>
      %dma_start3A = arith.constant 0 : i32
      %dma_start3A_21 = tpu.memref_slice %arg9[%mul3A_4, %dma_start3A] : memref<10240x128xf32, #tpu.memory_space<vmem_shared>> -> memref<640x128xf32, #tpu.memory_space<vmem_shared>>
      %dma_start3A_22 = arith.constant 0 : i32
      %dma_start3A_23 = tpu.memref_slice %arg2[%add3A, %dma_start3A_22] : memref<20480x128xf32, #tpu.memory_space<hbm>> -> memref<640x128xf32, #tpu.memory_space<hbm>>
      tpu.enqueue_dma source(%dma_start3A_23 : memref<640x128xf32, #tpu.memory_space<hbm>>) target(%dma_start3A_21 : memref<640x128xf32, #tpu.memory_space<vmem_shared>>) target_semaphore(%run_scoped3A : memref<!tpu.dma_semaphore, #tpu.memory_space<semaphore_mem>>)
      %dma_wait3A = arith.constant 0 : i32
      %dma_wait3A_24 = tpu.memref_slice %arg9[%mul3A_4, %dma_wait3A] : memref<10240x128xf32, #tpu.memory_space<vmem_shared>> -> memref<640x128xf32, #tpu.memory_space<vmem_shared>>
      %dma_wait3A_25 = arith.constant 0 : i32
      %dma_wait3A_26 = tpu.memref_slice %arg2[%add3A, %dma_wait3A_25] : memref<20480x128xf32, #tpu.memory_space<hbm>> -> memref<640x128xf32, #tpu.memory_space<hbm>>
      tpu.wait_dma2 semaphore(%run_scoped3A : memref<!tpu.dma_semaphore, #tpu.memory_space<semaphore_mem>>) src(%dma_wait3A_26 : memref<640x128xf32, #tpu.memory_space<hbm>>) dst(%dma_wait3A_24 : memref<640x128xf32, #tpu.memory_space<vmem_shared>>)
      tpu.yield
    }) : () -> ()
    %mul3A_5 = arith.constant 20224 : i32
    %mul3A_6 = arith.muli %arg1, %mul3A_5 : i32
    %barrier3A = arith.constant 0 : index
    tpu.barrier barrier_id(%barrier3A)
    %scan3A = arith.constant 0 : i32
    %scan3A_7 = arith.constant 0 : i32
    %scan3A_8 = arith.constant 158 : i32
    %scan3A_9 = arith.addi %scan3A_7, %scan3A_8 : i32
    %scan3A_10 = arith.constant 1 : i32
    %scan3A_11 = scf.for %scan3A_21 = %scan3A_7 to %scan3A_9 step %scan3A_10 iter_args(%scan3A_22 = %scan3A) -> (i32)  : i32 {
      %mul3A_23 = arith.constant 128 : i32
      %mul3A_24 = arith.muli %scan3A_21, %mul3A_23 : i32
      %add3A_25 = arith.addi %mul3A_6, %mul3A_24 : i32
      "tpu.region"() ({
        %run_scoped3A = tpu.sem_alloc : memref<!tpu.dma_semaphore, #tpu.memory_space<semaphore_mem>>
        %dma_start3A_31 = tpu.memref_slice %arg3[%arg0, %add3A_25] : memref<2x323584xi32, #tpu.memory_space<hbm>> -> memref<1x128xi32, #tpu.memory_space<hbm>>
        %dma_start3A_32 = tpu.memref_squeeze %dma_start3A_31 : memref<1x128xi32, #tpu.memory_space<hbm>> -> memref<128xi32, #tpu.memory_space<hbm>>
        %dma_start3A_33 = tpu.memref_slice %arg3[%arg0, %add3A_25] : memref<2x323584xi32, #tpu.memory_space<hbm>> -> memref<1x128xi32, #tpu.memory_space<hbm>>
        %dma_start3A_34 = tpu.memref_squeeze %dma_start3A_33 : memref<1x128xi32, #tpu.memory_space<hbm>> -> memref<128xi32, #tpu.memory_space<hbm>>
        tpu.enqueue_dma source(%dma_start3A_34 : memref<128xi32, #tpu.memory_space<hbm>>) target(%arg6 : memref<128xi32, #tpu.memory_space<vmem>>) target_semaphore(%run_scoped3A : memref<!tpu.dma_semaphore, #tpu.memory_space<semaphore_mem>>)
        %dma_wait3A_35 = tpu.memref_slice %arg3[%arg0, %add3A_25] : memref<2x323584xi32, #tpu.memory_space<hbm>> -> memref<1x128xi32, #tpu.memory_space<hbm>>
        %dma_wait3A_36 = tpu.memref_squeeze %dma_wait3A_35 : memref<1x128xi32, #tpu.memory_space<hbm>> -> memref<128xi32, #tpu.memory_space<hbm>>
        %dma_wait3A_37 = tpu.memref_slice %arg3[%arg0, %add3A_25] : memref<2x323584xi32, #tpu.memory_space<hbm>> -> memref<1x128xi32, #tpu.memory_space<hbm>>
        %dma_wait3A_38 = tpu.memref_squeeze %dma_wait3A_37 : memref<1x128xi32, #tpu.memory_space<hbm>> -> memref<128xi32, #tpu.memory_space<hbm>>
        tpu.wait_dma2 semaphore(%run_scoped3A : memref<!tpu.dma_semaphore, #tpu.memory_space<semaphore_mem>>) src(%dma_wait3A_38 : memref<128xi32, #tpu.memory_space<hbm>>) dst(%arg6 : memref<128xi32, #tpu.memory_space<vmem>>)
        tpu.yield
      }) : () -> ()
      "tpu.region"() ({
        %run_scoped3A = tpu.sem_alloc : memref<!tpu.dma_semaphore, #tpu.memory_space<semaphore_mem>>
        %dma_start3A_31 = tpu.memref_slice %arg4[%add3A_25] : memref<323584xi32, #tpu.memory_space<hbm>> -> memref<128xi32, #tpu.memory_space<hbm>>
        %dma_start3A_32 = tpu.memref_slice %arg4[%add3A_25] : memref<323584xi32, #tpu.memory_space<hbm>> -> memref<128xi32, #tpu.memory_space<hbm>>
        tpu.enqueue_dma source(%dma_start3A_32 : memref<128xi32, #tpu.memory_space<hbm>>) target(%arg7 : memref<128xi32, #tpu.memory_space<vmem>>) target_semaphore(%run_scoped3A : memref<!tpu.dma_semaphore, #tpu.memory_space<semaphore_mem>>)
        %dma_wait3A_33 = tpu.memref_slice %arg4[%add3A_25] : memref<323584xi32, #tpu.memory_space<hbm>> -> memref<128xi32, #tpu.memory_space<hbm>>
        %dma_wait3A_34 = tpu.memref_slice %arg4[%add3A_25] : memref<323584xi32, #tpu.memory_space<hbm>> -> memref<128xi32, #tpu.memory_space<hbm>>
        tpu.wait_dma2 semaphore(%run_scoped3A : memref<!tpu.dma_semaphore, #tpu.memory_space<semaphore_mem>>) src(%dma_wait3A_34 : memref<128xi32, #tpu.memory_space<hbm>>) dst(%arg7 : memref<128xi32, #tpu.memory_space<vmem>>)
        tpu.yield
      }) : () -> ()
      %dma_start3A = arith.constant 0 : i32
      %dma_start3A_26 = arith.constant 0 : i32
      %dma_start3A_27 = tpu.memref_slice %arg2[%dma_start3A, %dma_start3A_26] : memref<20480x128xf32, #tpu.memory_space<hbm>> -> memref<20480x128xf32, #tpu.memory_space<hbm>>
      tpu.enqueue_indirect_dma source(%dma_start3A_27 : memref<20480x128xf32, #tpu.memory_space<hbm>>) target(%arg8 : memref<128x128xf32, #tpu.memory_space<vmem>>) offsets(%arg6 : memref<128xi32, #tpu.memory_space<vmem>>) semaphore(%arg10 : memref<!tpu.dma_semaphore, #tpu.memory_space<semaphore_mem>>)
      %dma_wait3A = arith.constant 0 : i32
      %dma_wait3A_28 = arith.constant 0 : i32
      %dma_wait3A_29 = tpu.memref_slice %arg2[%dma_wait3A, %dma_wait3A_28] : memref<20480x128xf32, #tpu.memory_space<hbm>> -> memref<20480x128xf32, #tpu.memory_space<hbm>>
      tpu.wait_indirect_dma semaphore(%arg10 : memref<!tpu.dma_semaphore, #tpu.memory_space<semaphore_mem>>) src(%dma_wait3A_29 : memref<20480x128xf32, #tpu.memory_space<hbm>>) dst(%arg8 : memref<128x128xf32, #tpu.memory_space<vmem>>)
      "tpu.region"() ({
        %run_scoped3A = tpu.sem_alloc : memref<!tpu.dma_semaphore, #tpu.memory_space<semaphore_mem>>
        %dma_start3A_31 = arith.constant 0 : i32
        %dma_start3A_32 = arith.constant 0 : i32
        %dma_start3A_33 = tpu.memref_slice %arg9[%dma_start3A_31, %dma_start3A_32] : memref<10240x128xf32, #tpu.memory_space<vmem_shared>> -> memref<10240x128xf32, #tpu.memory_space<vmem_shared>>
        tpu.enqueue_indirect_dma source(%arg8 : memref<128x128xf32, #tpu.memory_space<vmem>>) target(%dma_start3A_33 : memref<10240x128xf32, #tpu.memory_space<vmem_shared>>) offsets(%arg7 : memref<128xi32, #tpu.memory_space<vmem>>) semaphore(%run_scoped3A : memref<!tpu.dma_semaphore, #tpu.memory_space<semaphore_mem>>) {add = true}
        %dma_wait3A_34 = arith.constant 0 : i32
        %dma_wait3A_35 = arith.constant 0 : i32
        %dma_wait3A_36 = tpu.memref_slice %arg9[%dma_wait3A_34, %dma_wait3A_35] : memref<10240x128xf32, #tpu.memory_space<vmem_shared>> -> memref<10240x128xf32, #tpu.memory_space<vmem_shared>>
        tpu.wait_indirect_dma semaphore(%run_scoped3A : memref<!tpu.dma_semaphore, #tpu.memory_space<semaphore_mem>>) src(%arg8 : memref<128x128xf32, #tpu.memory_space<vmem>>) dst(%dma_wait3A_36 : memref<10240x128xf32, #tpu.memory_space<vmem_shared>>)
        tpu.yield
      }) : () -> ()
      %scan3A_30 = arith.constant 0 : i32
      scf.yield %scan3A_30 : i32
    }
    %scan3A_12 = arith.constant 158 : i32
    %barrier3A_13 = arith.constant 0 : index
    tpu.barrier barrier_id(%barrier3A_13)
    %mul3A_14 = arith.constant 640 : i32
    %mul3A_15 = arith.muli %arg1, %mul3A_14 : i32
    %mul3A_16 = arith.constant 10240 : i32
    %mul3A_17 = arith.muli %arg0, %mul3A_16 : i32
    %mul3A_18 = arith.constant 640 : i32
    %mul3A_19 = arith.muli %arg1, %mul3A_18 : i32
    %add3A_20 = arith.addi %mul3A_17, %mul3A_19 : i32
    "tpu.region"() ({
      %run_scoped3A = tpu.sem_alloc : memref<!tpu.dma_semaphore, #tpu.memory_space<semaphore_mem>>
      %dma_start3A = arith.constant 0 : i32
      %dma_start3A_21 = tpu.memref_slice %arg5[%add3A_20, %dma_start3A] : memref<20480x128xf32, #tpu.memory_space<hbm>> -> memref<640x128xf32, #tpu.memory_space<hbm>>
      %dma_start3A_22 = arith.constant 0 : i32
      %dma_start3A_23 = tpu.memref_slice %arg9[%mul3A_15, %dma_start3A_22] : memref<10240x128xf32, #tpu.memory_space<vmem_shared>> -> memref<640x128xf32, #tpu.memory_space<vmem_shared>>
      tpu.enqueue_dma source(%dma_start3A_23 : memref<640x128xf32, #tpu.memory_space<vmem_shared>>) target(%dma_start3A_21 : memref<640x128xf32, #tpu.memory_space<hbm>>) target_semaphore(%run_scoped3A : memref<!tpu.dma_semaphore, #tpu.memory_space<semaphore_mem>>)
      %dma_wait3A = arith.constant 0 : i32
      %dma_wait3A_24 = tpu.memref_slice %arg5[%add3A_20, %dma_wait3A] : memref<20480x128xf32, #tpu.memory_space<hbm>> -> memref<640x128xf32, #tpu.memory_space<hbm>>
      %dma_wait3A_25 = arith.constant 0 : i32
      %dma_wait3A_26 = tpu.memref_slice %arg9[%mul3A_15, %dma_wait3A_25] : memref<10240x128xf32, #tpu.memory_space<vmem_shared>> -> memref<640x128xf32, #tpu.memory_space<vmem_shared>>
      tpu.wait_dma2 semaphore(%run_scoped3A : memref<!tpu.dma_semaphore, #tpu.memory_space<semaphore_mem>>) src(%dma_wait3A_26 : memref<640x128xf32, #tpu.memory_space<vmem_shared>>) dst(%dma_wait3A_24 : memref<640x128xf32, #tpu.memory_space<hbm>>)
      tpu.yield
    }) : () -> ()
    return
  }
}

#map = affine_map<(d0, d1) -> (0)>
#map1 = affine_map<(d0, d1) -> (0, 0)>
module attributes {stable_mosaic.version = 14 : i64} {
  func.func @_deg_body(%arg0: i32, %arg1: i32, %arg2: memref<323584xi32, #tpu.memory_space<hbm>>, %arg3: memref<32x10240xf32, #tpu.memory_space<hbm>>, %arg4: memref<10112xi32, #tpu.memory_space<vmem>>, %arg5: memref<10240xf32, #tpu.memory_space<vmem>>) attributes {dimension_semantics = [#tpu.dimension_semantics<core_parallel>, #tpu.dimension_semantics<subcore_parallel>], iteration_bounds = array<i64: 2, 16>, scalar_prefetch = 0 : i64, scratch_operands = 2 : i64, tpu.core_type = #tpu.core_type<sc_vector_subcore>, window_params = [{transform_indices = #map}, {transform_indices = #map1}]} {
    %mul3A = arith.constant 16 : i32
    %mul3A_0 = arith.muli %arg0, %mul3A : i32
    %add3A = arith.addi %mul3A_0, %arg1 : i32
    %scan3A = arith.constant 0 : i32
    %scan3A_1 = arith.constant 0 : i32
    %scan3A_2 = arith.constant 640 : i32
    %scan3A_3 = arith.addi %scan3A_1, %scan3A_2 : i32
    %scan3A_4 = arith.constant 1 : i32
    %scan3A_5 = scf.for %scan3A_17 = %scan3A_1 to %scan3A_3 step %scan3A_4 iter_args(%scan3A_18 = %scan3A) -> (i32)  : i32 {
      %broadcast_in_dim3A_19 = arith.constant 0.000000e+00 : f32
      %broadcast_in_dim3A_20 = vector.broadcast %broadcast_in_dim3A_19 : f32 to vector<16xf32>
      %mul3A_21 = arith.constant 16 : i32
      %mul3A_22 = arith.muli %scan3A_17, %mul3A_21 : i32
      %swap3A = arith.index_cast %mul3A_22 : i32 to index
      %swap3A_23 = tpu.vector_load %arg5[%swap3A] {strides = array<i32>} : memref<10240xf32, #tpu.memory_space<vmem>>, vector<16xf32>,
      tpu.vector_store %arg5[%swap3A], %broadcast_in_dim3A_20 {strides = array<i32>} : memref<10240xf32, #tpu.memory_space<vmem>>, vector<16xf32>,
      %scan3A_24 = arith.constant 0 : i32
      scf.yield %scan3A_24 : i32
    }
    %scan3A_6 = arith.constant 640 : i32
    %mul3A_7 = arith.constant 10112 : i32
    %mul3A_8 = arith.muli %add3A, %mul3A_7 : i32
    "tpu.region"() ({
      %run_scoped3A = tpu.sem_alloc : memref<!tpu.dma_semaphore, #tpu.memory_space<semaphore_mem>>
      %dma_start3A = tpu.memref_slice %arg2[%mul3A_8] : memref<323584xi32, #tpu.memory_space<hbm>> -> memref<10112xi32, #tpu.memory_space<hbm>>
      %dma_start3A_17 = tpu.memref_slice %arg2[%mul3A_8] : memref<323584xi32, #tpu.memory_space<hbm>> -> memref<10112xi32, #tpu.memory_space<hbm>>
      tpu.enqueue_dma source(%dma_start3A_17 : memref<10112xi32, #tpu.memory_space<hbm>>) target(%arg4 : memref<10112xi32, #tpu.memory_space<vmem>>) target_semaphore(%run_scoped3A : memref<!tpu.dma_semaphore, #tpu.memory_space<semaphore_mem>>)
      %dma_wait3A = tpu.memref_slice %arg2[%mul3A_8] : memref<323584xi32, #tpu.memory_space<hbm>> -> memref<10112xi32, #tpu.memory_space<hbm>>
      %dma_wait3A_18 = tpu.memref_slice %arg2[%mul3A_8] : memref<323584xi32, #tpu.memory_space<hbm>> -> memref<10112xi32, #tpu.memory_space<hbm>>
      tpu.wait_dma2 semaphore(%run_scoped3A : memref<!tpu.dma_semaphore, #tpu.memory_space<semaphore_mem>>) src(%dma_wait3A_18 : memref<10112xi32, #tpu.memory_space<hbm>>) dst(%arg4 : memref<10112xi32, #tpu.memory_space<vmem>>)
      tpu.yield
    }) : () -> ()
    %broadcast_in_dim3A = arith.constant 1.000000e+00 : f32
    %broadcast_in_dim3A_9 = vector.broadcast %broadcast_in_dim3A : f32 to vector<16xf32>
    %scan3A_10 = arith.constant 0 : i32
    %scan3A_11 = arith.constant 0 : i32
    %scan3A_12 = arith.constant 632 : i32
    %scan3A_13 = arith.addi %scan3A_11, %scan3A_12 : i32
    %scan3A_14 = arith.constant 1 : i32
    %scan3A_15 = scf.for %scan3A_17 = %scan3A_11 to %scan3A_13 step %scan3A_14 iter_args(%scan3A_18 = %scan3A_10) -> (i32)  : i32 {
      %mul3A_19 = arith.constant 16 : i32
      %mul3A_20 = arith.muli %scan3A_17, %mul3A_19 : i32
      %get3A = arith.index_cast %mul3A_20 : i32 to index
      %get3A_21 = tpu.vector_load %arg4[%get3A] {strides = array<i32>} : memref<10112xi32, #tpu.memory_space<vmem>>, vector<16xi32>,
      tpu.vector_store_idx %arg5[%get3A_21], %broadcast_in_dim3A_9 {add = true} : memref<10240xf32, #tpu.memory_space<vmem>>[vector<16xi32>], vector<16xf32>,
      %scan3A_22 = arith.constant 0 : i32
      scf.yield %scan3A_22 : i32
    }
    %scan3A_16 = arith.constant 632 : i32
    "tpu.region"() ({
      %run_scoped3A = tpu.sem_alloc : memref<!tpu.dma_semaphore, #tpu.memory_space<semaphore_mem>>
      %dma_start3A = arith.constant 0 : i32
      %dma_start3A_17 = tpu.memref_slice %arg3[%add3A, %dma_start3A] : memref<32x10240xf32, #tpu.memory_space<hbm>> -> memref<1x10240xf32, #tpu.memory_space<hbm>>
      %dma_start3A_18 = tpu.memref_squeeze %dma_start3A_17 : memref<1x10240xf32, #tpu.memory_space<hbm>> -> memref<10240xf32, #tpu.memory_space<hbm>>
      %dma_start3A_19 = arith.constant 0 : i32
      %dma_start3A_20 = tpu.memref_slice %arg3[%add3A, %dma_start3A_19] : memref<32x10240xf32, #tpu.memory_space<hbm>> -> memref<1x10240xf32, #tpu.memory_space<hbm>>
      %dma_start3A_21 = tpu.memref_squeeze %dma_start3A_20 : memref<1x10240xf32, #tpu.memory_space<hbm>> -> memref<10240xf32, #tpu.memory_space<hbm>>
      tpu.enqueue_dma source(%arg5 : memref<10240xf32, #tpu.memory_space<vmem>>) target(%dma_start3A_21 : memref<10240xf32, #tpu.memory_space<hbm>>) target_semaphore(%run_scoped3A : memref<!tpu.dma_semaphore, #tpu.memory_space<semaphore_mem>>)
      %dma_wait3A = arith.constant 0 : i32
      %dma_wait3A_22 = tpu.memref_slice %arg3[%add3A, %dma_wait3A] : memref<32x10240xf32, #tpu.memory_space<hbm>> -> memref<1x10240xf32, #tpu.memory_space<hbm>>
      %dma_wait3A_23 = tpu.memref_squeeze %dma_wait3A_22 : memref<1x10240xf32, #tpu.memory_space<hbm>> -> memref<10240xf32, #tpu.memory_space<hbm>>
      %dma_wait3A_24 = arith.constant 0 : i32
      %dma_wait3A_25 = tpu.memref_slice %arg3[%add3A, %dma_wait3A_24] : memref<32x10240xf32, #tpu.memory_space<hbm>> -> memref<1x10240xf32, #tpu.memory_space<hbm>>
      %dma_wait3A_26 = tpu.memref_squeeze %dma_wait3A_25 : memref<1x10240xf32, #tpu.memory_space<hbm>> -> memref<10240xf32, #tpu.memory_space<hbm>>
      tpu.wait_dma2 semaphore(%run_scoped3A : memref<!tpu.dma_semaphore, #tpu.memory_space<semaphore_mem>>) src(%arg5 : memref<10240xf32, #tpu.memory_space<vmem>>) dst(%dma_wait3A_26 : memref<10240xf32, #tpu.memory_space<hbm>>)
      tpu.yield
    }) : () -> ()
    return
  }
}

#map = affine_map<(d0, d1) -> (0, 0)>
#map1 = affine_map<(d0, d1) -> (0)>
module attributes {stable_mosaic.version = 14 : i64} {
  func.func @_agg_body(%arg0: i32, %arg1: i32, %arg2: memref<10240x128xf32, #tpu.memory_space<hbm>>, %arg3: memref<323584xi32, #tpu.memory_space<hbm>>, %arg4: memref<323584xi32, #tpu.memory_space<hbm>>, %arg5: memref<20480x128xf32, #tpu.memory_space<hbm>>, %arg6: memref<128xi32, #tpu.memory_space<vmem>>, %arg7: memref<128xi32, #tpu.memory_space<vmem>>, %arg8: memref<128x128xf32, #tpu.memory_space<vmem>>, %arg9: memref<10240x128xf32, #tpu.memory_space<vmem_shared>>, %arg10: memref<!tpu.dma_semaphore, #tpu.memory_space<semaphore_mem>>) attributes {dimension_semantics = [#tpu.dimension_semantics<core_parallel>, #tpu.dimension_semantics<subcore_parallel>], iteration_bounds = array<i64: 2, 16>, scalar_prefetch = 0 : i64, scratch_operands = 5 : i64, tpu.core_type = #tpu.core_type<sc_vector_subcore>, window_params = [{transform_indices = #map}, {transform_indices = #map1}, {transform_indices = #map1}, {transform_indices = #map}]} {
    %scan3A = arith.constant 0 : i32
    %scan3A_0 = arith.constant 0 : i32
    %scan3A_1 = arith.constant 1024 : i32
    %scan3A_2 = arith.addi %scan3A_0, %scan3A_1 : i32
    %scan3A_3 = arith.constant 1 : i32
    %scan3A_4 = scf.for %scan3A_44 = %scan3A_0 to %scan3A_2 step %scan3A_3 iter_args(%scan3A_45 = %scan3A) -> (i32)  : i32 {
      %broadcast_in_dim3A = arith.constant 0.000000e+00 : f32
      %broadcast_in_dim3A_46 = vector.broadcast %broadcast_in_dim3A : f32 to vector<16xf32>
      %jit3A = arith.constant 128 : i32
      %eq3A = arith.constant 0 : i32
      %eq3A_47 = arith.cmpi eq, %jit3A, %eq3A : i32
      %jit3A_48 = arith.constant 1 : i32
      %select_n3A = arith.select %eq3A_47, %jit3A_48, %jit3A : i32
      %rem3A = arith.remsi %scan3A_44, %select_n3A : i32
      %ne3A = arith.constant 0 : i32
      %ne3A_49 = arith.cmpi ne, %rem3A, %ne3A : i32
      %lt3A = arith.constant 0 : i32
      %lt3A_50 = arith.cmpi slt, %rem3A, %lt3A : i32
      %lt3A_51 = arith.constant 0 : i32
      %lt3A_52 = arith.cmpi slt, %select_n3A, %lt3A_51 : i32
      %ne3A_53 = arith.xori %lt3A_50, %lt3A_52 : i1
      %and3A = arith.andi %ne3A_53, %ne3A_49 : i1
      %add3A_54 = arith.addi %rem3A, %select_n3A : i32
      %select_n3A_55 = arith.select %and3A, %add3A_54, %rem3A : i32
      %jit3A_56 = arith.constant 128 : i32
      %div3A = arith.divsi %scan3A_44, %jit3A_56 : i32
      %sign3A = arith.constant 0 : i32
      %sign3A_57 = arith.cmpi sgt, %scan3A_44, %sign3A : i32
      %sign3A_58 = arith.extui %sign3A_57 : i1 to i32
      %sign3A_59 = arith.constant 0 : i32
      %sign3A_60 = arith.cmpi slt, %scan3A_44, %sign3A_59 : i32
      %sign3A_61 = arith.extui %sign3A_60 : i1 to i32
      %sign3A_62 = arith.subi %sign3A_58, %sign3A_61 : i32
      %sign3A_63 = arith.constant 0 : i32
      %sign3A_64 = arith.cmpi sgt, %jit3A_56, %sign3A_63 : i32
      %sign3A_65 = arith.extui %sign3A_64 : i1 to i32
      %sign3A_66 = arith.constant 0 : i32
      %sign3A_67 = arith.cmpi slt, %jit3A_56, %sign3A_66 : i32
      %sign3A_68 = arith.extui %sign3A_67 : i1 to i32
      %sign3A_69 = arith.subi %sign3A_65, %sign3A_68 : i32
      %ne3A_70 = arith.cmpi ne, %sign3A_62, %sign3A_69 : i32
      %rem3A_71 = arith.remsi %scan3A_44, %jit3A_56 : i32
      %ne3A_72 = arith.constant 0 : i32
      %ne3A_73 = arith.cmpi ne, %rem3A_71, %ne3A_72 : i32
      %and3A_74 = arith.andi %ne3A_70, %ne3A_73 : i1
      %sub3A = arith.constant 1 : i32
      %sub3A_75 = arith.subi %div3A, %sub3A : i32
      %select_n3A_76 = arith.select %and3A_74, %sub3A_75, %div3A : i32
      %mul3A_77 = arith.constant 16 : i32
      %mul3A_78 = arith.muli %select_n3A_76, %mul3A_77 : i32
      %swap3A = arith.index_cast %select_n3A_55 : i32 to index
      %swap3A_79 = arith.index_cast %mul3A_78 : i32 to index
      %swap3A_80 = tpu.vector_load %arg8[%swap3A, %swap3A_79] {strides = array<i32>} : memref<128x128xf32, #tpu.memory_space<vmem>>, vector<16xf32>,
      tpu.vector_store %arg8[%swap3A, %swap3A_79], %broadcast_in_dim3A_46 {strides = array<i32>} : memref<128x128xf32, #tpu.memory_space<vmem>>, vector<16xf32>,
      %scan3A_81 = arith.constant 0 : i32
      scf.yield %scan3A_81 : i32
    }
    %scan3A_5 = arith.constant 1024 : i32
    %mul3A = arith.constant 640 : i32
    %mul3A_6 = arith.muli %arg1, %mul3A : i32
    %add3A = arith.constant 0 : i32
    %add3A_7 = arith.addi %mul3A_6, %add3A : i32
    "tpu.region"() ({
      %run_scoped3A = tpu.sem_alloc : memref<!tpu.dma_semaphore, #tpu.memory_space<semaphore_mem>>
      %dma_start3A = arith.constant 0 : i32
      %dma_start3A_44 = tpu.memref_slice %arg9[%add3A_7, %dma_start3A] : memref<10240x128xf32, #tpu.memory_space<vmem_shared>> -> memref<128x128xf32, #tpu.memory_space<vmem_shared>>
      %dma_start3A_45 = arith.constant 0 : i32
      %dma_start3A_46 = tpu.memref_slice %arg9[%add3A_7, %dma_start3A_45] : memref<10240x128xf32, #tpu.memory_space<vmem_shared>> -> memref<128x128xf32, #tpu.memory_space<vmem_shared>>
      tpu.enqueue_dma source(%arg8 : memref<128x128xf32, #tpu.memory_space<vmem>>) target(%dma_start3A_46 : memref<128x128xf32, #tpu.memory_space<vmem_shared>>) target_semaphore(%run_scoped3A : memref<!tpu.dma_semaphore, #tpu.memory_space<semaphore_mem>>)
      %dma_wait3A = arith.constant 0 : i32
      %dma_wait3A_47 = tpu.memref_slice %arg9[%add3A_7, %dma_wait3A] : memref<10240x128xf32, #tpu.memory_space<vmem_shared>> -> memref<128x128xf32, #tpu.memory_space<vmem_shared>>
      %dma_wait3A_48 = arith.constant 0 : i32
      %dma_wait3A_49 = tpu.memref_slice %arg9[%add3A_7, %dma_wait3A_48] : memref<10240x128xf32, #tpu.memory_space<vmem_shared>> -> memref<128x128xf32, #tpu.memory_space<vmem_shared>>
      tpu.wait_dma2 semaphore(%run_scoped3A : memref<!tpu.dma_semaphore, #tpu.memory_space<semaphore_mem>>) src(%arg8 : memref<128x128xf32, #tpu.memory_space<vmem>>) dst(%dma_wait3A_49 : memref<128x128xf32, #tpu.memory_space<vmem_shared>>)
      tpu.yield
    }) : () -> ()
    %mul3A_8 = arith.constant 640 : i32
    %mul3A_9 = arith.muli %arg1, %mul3A_8 : i32
    %add3A_10 = arith.constant 128 : i32
    %add3A_11 = arith.addi %mul3A_9, %add3A_10 : i32
    "tpu.region"() ({
      %run_scoped3A = tpu.sem_alloc : memref<!tpu.dma_semaphore, #tpu.memory_space<semaphore_mem>>
      %dma_start3A = arith.constant 0 : i32
      %dma_start3A_44 = tpu.memref_slice %arg9[%add3A_11, %dma_start3A] : memref<10240x128xf32, #tpu.memory_space<vmem_shared>> -> memref<128x128xf32, #tpu.memory_space<vmem_shared>>
      %dma_start3A_45 = arith.constant 0 : i32
      %dma_start3A_46 = tpu.memref_slice %arg9[%add3A_11, %dma_start3A_45] : memref<10240x128xf32, #tpu.memory_space<vmem_shared>> -> memref<128x128xf32, #tpu.memory_space<vmem_shared>>
      tpu.enqueue_dma source(%arg8 : memref<128x128xf32, #tpu.memory_space<vmem>>) target(%dma_start3A_46 : memref<128x128xf32, #tpu.memory_space<vmem_shared>>) target_semaphore(%run_scoped3A : memref<!tpu.dma_semaphore, #tpu.memory_space<semaphore_mem>>)
      %dma_wait3A = arith.constant 0 : i32
      %dma_wait3A_47 = tpu.memref_slice %arg9[%add3A_11, %dma_wait3A] : memref<10240x128xf32, #tpu.memory_space<vmem_shared>> -> memref<128x128xf32, #tpu.memory_space<vmem_shared>>
      %dma_wait3A_48 = arith.constant 0 : i32
      %dma_wait3A_49 = tpu.memref_slice %arg9[%add3A_11, %dma_wait3A_48] : memref<10240x128xf32, #tpu.memory_space<vmem_shared>> -> memref<128x128xf32, #tpu.memory_space<vmem_shared>>
      tpu.wait_dma2 semaphore(%run_scoped3A : memref<!tpu.dma_semaphore, #tpu.memory_space<semaphore_mem>>) src(%arg8 : memref<128x128xf32, #tpu.memory_space<vmem>>) dst(%dma_wait3A_49 : memref<128x128xf32, #tpu.memory_space<vmem_shared>>)
      tpu.yield
    }) : () -> ()
    %mul3A_12 = arith.constant 640 : i32
    %mul3A_13 = arith.muli %arg1, %mul3A_12 : i32
    %add3A_14 = arith.constant 256 : i32
    %add3A_15 = arith.addi %mul3A_13, %add3A_14 : i32
    "tpu.region"() ({
      %run_scoped3A = tpu.sem_alloc : memref<!tpu.dma_semaphore, #tpu.memory_space<semaphore_mem>>
      %dma_start3A = arith.constant 0 : i32
      %dma_start3A_44 = tpu.memref_slice %arg9[%add3A_15, %dma_start3A] : memref<10240x128xf32, #tpu.memory_space<vmem_shared>> -> memref<128x128xf32, #tpu.memory_space<vmem_shared>>
      %dma_start3A_45 = arith.constant 0 : i32
      %dma_start3A_46 = tpu.memref_slice %arg9[%add3A_15, %dma_start3A_45] : memref<10240x128xf32, #tpu.memory_space<vmem_shared>> -> memref<128x128xf32, #tpu.memory_space<vmem_shared>>
      tpu.enqueue_dma source(%arg8 : memref<128x128xf32, #tpu.memory_space<vmem>>) target(%dma_start3A_46 : memref<128x128xf32, #tpu.memory_space<vmem_shared>>) target_semaphore(%run_scoped3A : memref<!tpu.dma_semaphore, #tpu.memory_space<semaphore_mem>>)
      %dma_wait3A = arith.constant 0 : i32
      %dma_wait3A_47 = tpu.memref_slice %arg9[%add3A_15, %dma_wait3A] : memref<10240x128xf32, #tpu.memory_space<vmem_shared>> -> memref<128x128xf32, #tpu.memory_space<vmem_shared>>
      %dma_wait3A_48 = arith.constant 0 : i32
      %dma_wait3A_49 = tpu.memref_slice %arg9[%add3A_15, %dma_wait3A_48] : memref<10240x128xf32, #tpu.memory_space<vmem_shared>> -> memref<128x128xf32, #tpu.memory_space<vmem_shared>>
      tpu.wait_dma2 semaphore(%run_scoped3A : memref<!tpu.dma_semaphore, #tpu.memory_space<semaphore_mem>>) src(%arg8 : memref<128x128xf32, #tpu.memory_space<vmem>>) dst(%dma_wait3A_49 : memref<128x128xf32, #tpu.memory_space<vmem_shared>>)
      tpu.yield
    }) : () -> ()
    %mul3A_16 = arith.constant 640 : i32
    %mul3A_17 = arith.muli %arg1, %mul3A_16 : i32
    %add3A_18 = arith.constant 384 : i32
    %add3A_19 = arith.addi %mul3A_17, %add3A_18 : i32
    "tpu.region"() ({
      %run_scoped3A = tpu.sem_alloc : memref<!tpu.dma_semaphore, #tpu.memory_space<semaphore_mem>>
      %dma_start3A = arith.constant 0 : i32
      %dma_start3A_44 = tpu.memref_slice %arg9[%add3A_19, %dma_start3A] : memref<10240x128xf32, #tpu.memory_space<vmem_shared>> -> memref<128x128xf32, #tpu.memory_space<vmem_shared>>
      %dma_start3A_45 = arith.constant 0 : i32
      %dma_start3A_46 = tpu.memref_slice %arg9[%add3A_19, %dma_start3A_45] : memref<10240x128xf32, #tpu.memory_space<vmem_shared>> -> memref<128x128xf32, #tpu.memory_space<vmem_shared>>
      tpu.enqueue_dma source(%arg8 : memref<128x128xf32, #tpu.memory_space<vmem>>) target(%dma_start3A_46 : memref<128x128xf32, #tpu.memory_space<vmem_shared>>) target_semaphore(%run_scoped3A : memref<!tpu.dma_semaphore, #tpu.memory_space<semaphore_mem>>)
      %dma_wait3A = arith.constant 0 : i32
      %dma_wait3A_47 = tpu.memref_slice %arg9[%add3A_19, %dma_wait3A] : memref<10240x128xf32, #tpu.memory_space<vmem_shared>> -> memref<128x128xf32, #tpu.memory_space<vmem_shared>>
      %dma_wait3A_48 = arith.constant 0 : i32
      %dma_wait3A_49 = tpu.memref_slice %arg9[%add3A_19, %dma_wait3A_48] : memref<10240x128xf32, #tpu.memory_space<vmem_shared>> -> memref<128x128xf32, #tpu.memory_space<vmem_shared>>
      tpu.wait_dma2 semaphore(%run_scoped3A : memref<!tpu.dma_semaphore, #tpu.memory_space<semaphore_mem>>) src(%arg8 : memref<128x128xf32, #tpu.memory_space<vmem>>) dst(%dma_wait3A_49 : memref<128x128xf32, #tpu.memory_space<vmem_shared>>)
      tpu.yield
    }) : () -> ()
    %mul3A_20 = arith.constant 640 : i32
    %mul3A_21 = arith.muli %arg1, %mul3A_20 : i32
    %add3A_22 = arith.constant 512 : i32
    %add3A_23 = arith.addi %mul3A_21, %add3A_22 : i32
    "tpu.region"() ({
      %run_scoped3A = tpu.sem_alloc : memref<!tpu.dma_semaphore, #tpu.memory_space<semaphore_mem>>
      %dma_start3A = arith.constant 0 : i32
      %dma_start3A_44 = tpu.memref_slice %arg9[%add3A_23, %dma_start3A] : memref<10240x128xf32, #tpu.memory_space<vmem_shared>> -> memref<128x128xf32, #tpu.memory_space<vmem_shared>>
      %dma_start3A_45 = arith.constant 0 : i32
      %dma_start3A_46 = tpu.memref_slice %arg9[%add3A_23, %dma_start3A_45] : memref<10240x128xf32, #tpu.memory_space<vmem_shared>> -> memref<128x128xf32, #tpu.memory_space<vmem_shared>>
      tpu.enqueue_dma source(%arg8 : memref<128x128xf32, #tpu.memory_space<vmem>>) target(%dma_start3A_46 : memref<128x128xf32, #tpu.memory_space<vmem_shared>>) target_semaphore(%run_scoped3A : memref<!tpu.dma_semaphore, #tpu.memory_space<semaphore_mem>>)
      %dma_wait3A = arith.constant 0 : i32
      %dma_wait3A_47 = tpu.memref_slice %arg9[%add3A_23, %dma_wait3A] : memref<10240x128xf32, #tpu.memory_space<vmem_shared>> -> memref<128x128xf32, #tpu.memory_space<vmem_shared>>
      %dma_wait3A_48 = arith.constant 0 : i32
      %dma_wait3A_49 = tpu.memref_slice %arg9[%add3A_23, %dma_wait3A_48] : memref<10240x128xf32, #tpu.memory_space<vmem_shared>> -> memref<128x128xf32, #tpu.memory_space<vmem_shared>>
      tpu.wait_dma2 semaphore(%run_scoped3A : memref<!tpu.dma_semaphore, #tpu.memory_space<semaphore_mem>>) src(%arg8 : memref<128x128xf32, #tpu.memory_space<vmem>>) dst(%dma_wait3A_49 : memref<128x128xf32, #tpu.memory_space<vmem_shared>>)
      tpu.yield
    }) : () -> ()
    %mul3A_24 = arith.constant 161792 : i32
    %mul3A_25 = arith.muli %arg0, %mul3A_24 : i32
    %mul3A_26 = arith.constant 10112 : i32
    %mul3A_27 = arith.muli %arg1, %mul3A_26 : i32
    %add3A_28 = arith.addi %mul3A_25, %mul3A_27 : i32
    %barrier3A = arith.constant 0 : index
    tpu.barrier barrier_id(%barrier3A)
    %scan3A_29 = arith.constant 0 : i32
    %scan3A_30 = arith.constant 0 : i32
    %scan3A_31 = arith.constant 79 : i32
    %scan3A_32 = arith.addi %scan3A_30, %scan3A_31 : i32
    %scan3A_33 = arith.constant 1 : i32
    %scan3A_34 = scf.for %scan3A_44 = %scan3A_30 to %scan3A_32 step %scan3A_33 iter_args(%scan3A_45 = %scan3A_29) -> (i32)  : i32 {
      %mul3A_46 = arith.constant 128 : i32
      %mul3A_47 = arith.muli %scan3A_44, %mul3A_46 : i32
      %add3A_48 = arith.addi %add3A_28, %mul3A_47 : i32
      "tpu.region"() ({
        %run_scoped3A = tpu.sem_alloc : memref<!tpu.dma_semaphore, #tpu.memory_space<semaphore_mem>>
        %dma_start3A_54 = tpu.memref_slice %arg3[%add3A_48] : memref<323584xi32, #tpu.memory_space<hbm>> -> memref<128xi32, #tpu.memory_space<hbm>>
        %dma_start3A_55 = tpu.memref_slice %arg3[%add3A_48] : memref<323584xi32, #tpu.memory_space<hbm>> -> memref<128xi32, #tpu.memory_space<hbm>>
        tpu.enqueue_dma source(%dma_start3A_55 : memref<128xi32, #tpu.memory_space<hbm>>) target(%arg6 : memref<128xi32, #tpu.memory_space<vmem>>) target_semaphore(%run_scoped3A : memref<!tpu.dma_semaphore, #tpu.memory_space<semaphore_mem>>)
        %dma_wait3A_56 = tpu.memref_slice %arg3[%add3A_48] : memref<323584xi32, #tpu.memory_space<hbm>> -> memref<128xi32, #tpu.memory_space<hbm>>
        %dma_wait3A_57 = tpu.memref_slice %arg3[%add3A_48] : memref<323584xi32, #tpu.memory_space<hbm>> -> memref<128xi32, #tpu.memory_space<hbm>>
        tpu.wait_dma2 semaphore(%run_scoped3A : memref<!tpu.dma_semaphore, #tpu.memory_space<semaphore_mem>>) src(%dma_wait3A_57 : memref<128xi32, #tpu.memory_space<hbm>>) dst(%arg6 : memref<128xi32, #tpu.memory_space<vmem>>)
        tpu.yield
      }) : () -> ()
      "tpu.region"() ({
        %run_scoped3A = tpu.sem_alloc : memref<!tpu.dma_semaphore, #tpu.memory_space<semaphore_mem>>
        %dma_start3A_54 = tpu.memref_slice %arg4[%add3A_48] : memref<323584xi32, #tpu.memory_space<hbm>> -> memref<128xi32, #tpu.memory_space<hbm>>
        %dma_start3A_55 = tpu.memref_slice %arg4[%add3A_48] : memref<323584xi32, #tpu.memory_space<hbm>> -> memref<128xi32, #tpu.memory_space<hbm>>
        tpu.enqueue_dma source(%dma_start3A_55 : memref<128xi32, #tpu.memory_space<hbm>>) target(%arg7 : memref<128xi32, #tpu.memory_space<vmem>>) target_semaphore(%run_scoped3A : memref<!tpu.dma_semaphore, #tpu.memory_space<semaphore_mem>>)
        %dma_wait3A_56 = tpu.memref_slice %arg4[%add3A_48] : memref<323584xi32, #tpu.memory_space<hbm>> -> memref<128xi32, #tpu.memory_space<hbm>>
        %dma_wait3A_57 = tpu.memref_slice %arg4[%add3A_48] : memref<323584xi32, #tpu.memory_space<hbm>> -> memref<128xi32, #tpu.memory_space<hbm>>
        tpu.wait_dma2 semaphore(%run_scoped3A : memref<!tpu.dma_semaphore, #tpu.memory_space<semaphore_mem>>) src(%dma_wait3A_57 : memref<128xi32, #tpu.memory_space<hbm>>) dst(%arg7 : memref<128xi32, #tpu.memory_space<vmem>>)
        tpu.yield
      }) : () -> ()
      %dma_start3A = arith.constant 0 : i32
      %dma_start3A_49 = arith.constant 0 : i32
      %dma_start3A_50 = tpu.memref_slice %arg2[%dma_start3A, %dma_start3A_49] : memref<10240x128xf32, #tpu.memory_space<hbm>> -> memref<10240x128xf32, #tpu.memory_space<hbm>>
      tpu.enqueue_indirect_dma source(%dma_start3A_50 : memref<10240x128xf32, #tpu.memory_space<hbm>>) target(%arg8 : memref<128x128xf32, #tpu.memory_space<vmem>>) offsets(%arg6 : memref<128xi32, #tpu.memory_space<vmem>>) semaphore(%arg10 : memref<!tpu.dma_semaphore, #tpu.memory_space<semaphore_mem>>)
      %dma_wait3A = arith.constant 0 : i32
      %dma_wait3A_51 = arith.constant 0 : i32
      %dma_wait3A_52 = tpu.memref_slice %arg2[%dma_wait3A, %dma_wait3A_51] : memref<10240x128xf32, #tpu.memory_space<hbm>> -> memref<10240x128xf32, #tpu.memory_space<hbm>>
      tpu.wait_indirect_dma semaphore(%arg10 : memref<!tpu.dma_semaphore, #tpu.memory_space<semaphore_mem>>) src(%dma_wait3A_52 : memref<10240x128xf32, #tpu.memory_space<hbm>>) dst(%arg8 : memref<128x128xf32, #tpu.memory_space<vmem>>)
      "tpu.region"() ({
        %run_scoped3A = tpu.sem_alloc : memref<!tpu.dma_semaphore, #tpu.memory_space<semaphore_mem>>
        %dma_start3A_54 = arith.constant 0 : i32
        %dma_start3A_55 = arith.constant 0 : i32
        %dma_start3A_56 = tpu.memref_slice %arg9[%dma_start3A_54, %dma_start3A_55] : memref<10240x128xf32, #tpu.memory_space<vmem_shared>> -> memref<10240x128xf32, #tpu.memory_space<vmem_shared>>
        tpu.enqueue_indirect_dma source(%arg8 : memref<128x128xf32, #tpu.memory_space<vmem>>) target(%dma_start3A_56 : memref<10240x128xf32, #tpu.memory_space<vmem_shared>>) offsets(%arg7 : memref<128xi32, #tpu.memory_space<vmem>>) semaphore(%run_scoped3A : memref<!tpu.dma_semaphore, #tpu.memory_space<semaphore_mem>>) {add = true}
        %dma_wait3A_57 = arith.constant 0 : i32
        %dma_wait3A_58 = arith.constant 0 : i32
        %dma_wait3A_59 = tpu.memref_slice %arg9[%dma_wait3A_57, %dma_wait3A_58] : memref<10240x128xf32, #tpu.memory_space<vmem_shared>> -> memref<10240x128xf32, #tpu.memory_space<vmem_shared>>
        tpu.wait_indirect_dma semaphore(%run_scoped3A : memref<!tpu.dma_semaphore, #tpu.memory_space<semaphore_mem>>) src(%arg8 : memref<128x128xf32, #tpu.memory_space<vmem>>) dst(%dma_wait3A_59 : memref<10240x128xf32, #tpu.memory_space<vmem_shared>>)
        tpu.yield
      }) : () -> ()
      %scan3A_53 = arith.constant 0 : i32
      scf.yield %scan3A_53 : i32
    }
    %scan3A_35 = arith.constant 79 : i32
    %barrier3A_36 = arith.constant 0 : index
    tpu.barrier barrier_id(%barrier3A_36)
    %mul3A_37 = arith.constant 640 : i32
    %mul3A_38 = arith.muli %arg1, %mul3A_37 : i32
    %mul3A_39 = arith.constant 10240 : i32
    %mul3A_40 = arith.muli %arg0, %mul3A_39 : i32
    %mul3A_41 = arith.constant 640 : i32
    %mul3A_42 = arith.muli %arg1, %mul3A_41 : i32
    %add3A_43 = arith.addi %mul3A_40, %mul3A_42 : i32
    "tpu.region"() ({
      %run_scoped3A = tpu.sem_alloc : memref<!tpu.dma_semaphore, #tpu.memory_space<semaphore_mem>>
      %dma_start3A = arith.constant 0 : i32
      %dma_start3A_44 = tpu.memref_slice %arg5[%add3A_43, %dma_start3A] : memref<20480x128xf32, #tpu.memory_space<hbm>> -> memref<640x128xf32, #tpu.memory_space<hbm>>
      %dma_start3A_45 = arith.constant 0 : i32
      %dma_start3A_46 = tpu.memref_slice %arg9[%mul3A_38, %dma_start3A_45] : memref<10240x128xf32, #tpu.memory_space<vmem_shared>> -> memref<640x128xf32, #tpu.memory_space<vmem_shared>>
      tpu.enqueue_dma source(%dma_start3A_46 : memref<640x128xf32, #tpu.memory_space<vmem_shared>>) target(%dma_start3A_44 : memref<640x128xf32, #tpu.memory_space<hbm>>) target_semaphore(%run_scoped3A : memref<!tpu.dma_semaphore, #tpu.memory_space<semaphore_mem>>)
      %dma_wait3A = arith.constant 0 : i32
      %dma_wait3A_47 = tpu.memref_slice %arg5[%add3A_43, %dma_wait3A] : memref<20480x128xf32, #tpu.memory_space<hbm>> -> memref<640x128xf32, #tpu.memory_space<hbm>>
      %dma_wait3A_48 = arith.constant 0 : i32
      %dma_wait3A_49 = tpu.memref_slice %arg9[%mul3A_38, %dma_wait3A_48] : memref<10240x128xf32, #tpu.memory_space<vmem_shared>> -> memref<640x128xf32, #tpu.memory_space<vmem_shared>>
      tpu.wait_dma2 semaphore(%run_scoped3A : memref<!tpu.dma_semaphore, #tpu.memory_space<semaphore_mem>>) src(%dma_wait3A_49 : memref<640x128xf32, #tpu.memory_space<vmem_shared>>) dst(%dma_wait3A_47 : memref<640x128xf32, #tpu.memory_space<hbm>>)
      tpu.yield
    }) : () -> ()
    return
  }
}

module attributes {stable_mosaic.version = 14 : i64} {
  func.func @_dinv_body(%arg0: i32, %arg1: memref<32x1024xf32, #tpu.memory_space<vmem>>, %arg2: memref<1024x128xf32, #tpu.memory_space<vmem>>) attributes {dimension_semantics = [#tpu.dimension_semantics<arbitrary>], iteration_bounds = array<i64: 10>, scalar_prefetch = 0 : i64, scratch_operands = 0 : i64, tpu.core_type = #tpu.core_type<tc>, window_params = [{transform_indices = @transform_0, window_bounds = array<i64: 32, 1024>}, {transform_indices = @transform_1, window_bounds = array<i64: 1024, 128>}]} {
    %get3A = arith.constant 0 : index
    %get3A_0 = arith.constant 0 : index
    %get3A_1 = vector.load %arg1[%get3A, %get3A_0] : memref<32x1024xf32, #tpu.memory_space<vmem>>, vector<32x1024xf32>
    %reduce_sum3A = arith.constant dense<0.000000e+00> : vector<1024xf32>
    %reduce_sum3A_2 = vector.multi_reduction <add>, %get3A_1, %reduce_sum3A [0] : vector<32x1024xf32> to vector<1024xf32>
    %broadcast_in_dim3A = vector.shape_cast %reduce_sum3A_2 : vector<1024xf32> to vector<1x1024xf32>
    %add3A = arith.constant 1.000000e+00 : f32
    %add3A_3 = vector.broadcast %add3A : f32 to vector<1x1024xf32>
    %add3A_4 = arith.addf %broadcast_in_dim3A, %add3A_3 : vector<1x1024xf32>
    %rsqrt3A = math.rsqrt %add3A_4 : vector<1x1024xf32>
    %reshape3A = vector.shape_cast %rsqrt3A : vector<1x1024xf32> to vector<1024x1xf32>
    %broadcast_in_dim3A_5 = vector.shape_cast %reshape3A : vector<1024x1xf32> to vector<1024x1xf32>
    %broadcast_in_dim3A_6 = vector.broadcast %broadcast_in_dim3A_5 : vector<1024x1xf32> to vector<1024x128xf32>
    %swap3A = arith.constant 0 : index
    %swap3A_7 = arith.constant 0 : index
    %swap3A_8 = vector.load %arg2[%swap3A, %swap3A_7] : memref<1024x128xf32, #tpu.memory_space<vmem>>, vector<1024x128xf32>
    tpu.vector_store %arg2[%swap3A, %swap3A_7], %broadcast_in_dim3A_6 {strides = array<i32>} : memref<1024x128xf32, #tpu.memory_space<vmem>>, vector<1024x128xf32>,
    return
  }
  func.func @transform_0(%arg0: i32) -> (i32, i32) {
    %c0_i32 = arith.constant 0 : i32
    %c0_i32_0 = arith.constant 0 : i32
    return %c0_i32, %arg0 : i32, i32
  }
  func.func @transform_1(%arg0: i32) -> (i32, i32) {
    %c0_i32 = arith.constant 0 : i32
    %c0_i32_0 = arith.constant 0 : i32
    return %arg0, %c0_i32 : i32, i32
  }
}

module attributes {stable_mosaic.version = 14 : i64} {
  func.func @_mm1_body(%arg0: i32, %arg1: i32, %arg2: memref<1024x128xf32, #tpu.memory_space<vmem>>, %arg3: memref<128x128xf32, #tpu.memory_space<vmem>>, %arg4: memref<1024x128xf32, #tpu.memory_space<vmem>>, %arg5: memref<1024x128xf32, #tpu.memory_space<vmem>>) attributes {dimension_semantics = [#tpu.dimension_semantics<arbitrary>, #tpu.dimension_semantics<arbitrary>], iteration_bounds = array<i64: 2, 10>, scalar_prefetch = 0 : i64, scratch_operands = 0 : i64, tpu.core_type = #tpu.core_type<tc>, window_params = [{transform_indices = @transform_0, window_bounds = array<i64: 1024, 128>}, {transform_indices = @transform_1, window_bounds = array<i64: 128, 128>}, {transform_indices = @transform_2, window_bounds = array<i64: 1024, 128>}, {transform_indices = @transform_3, window_bounds = array<i64: 1024, 128>}]} {
    %get3A = arith.constant 0 : index
    %get3A_0 = arith.constant 0 : index
    %get3A_1 = vector.load %arg2[%get3A, %get3A_0] : memref<1024x128xf32, #tpu.memory_space<vmem>>, vector<1024x128xf32>
    %get3A_2 = arith.constant 0 : index
    %get3A_3 = arith.constant 0 : index
    %get3A_4 = vector.load %arg3[%get3A_2, %get3A_3] : memref<128x128xf32, #tpu.memory_space<vmem>>, vector<128x128xf32>
    %dot_general3A = arith.constant dense<0.000000e+00> : vector<1024x128xf32>
    %dot_general3A_5 = tpu.matmul %get3A_1, %get3A_4, %dot_general3A {dimension_numbers = #tpu.dot_dimension_numbers<[1], [0], [0], [1], [0, 0, 1, 1], [], []>, transpose_lhs_hint = false} : vector<1024x128xf32>, vector<128x128xf32>, vector<1024x128xf32> -> vector<1024x128xf32>
    %get3A_6 = arith.constant 0 : index
    %get3A_7 = arith.constant 0 : index
    %get3A_8 = vector.load %arg4[%get3A_6, %get3A_7] : memref<1024x128xf32, #tpu.memory_space<vmem>>, vector<1024x128xf32>
    %mul3A = arith.mulf %dot_general3A_5, %get3A_8 : vector<1024x128xf32>
    %swap3A = arith.constant 0 : index
    %swap3A_9 = arith.constant 0 : index
    %swap3A_10 = vector.load %arg5[%swap3A, %swap3A_9] : memref<1024x128xf32, #tpu.memory_space<vmem>>, vector<1024x128xf32>
    tpu.vector_store %arg5[%swap3A, %swap3A_9], %mul3A {strides = array<i32>} : memref<1024x128xf32, #tpu.memory_space<vmem>>, vector<1024x128xf32>,
    return
  }
  func.func @transform_0(%arg0: i32, %arg1: i32) -> (i32, i32) {
    %c0_i32 = arith.constant 0 : i32
    %c0_i32_0 = arith.constant 0 : i32
    return %arg1, %c0_i32 : i32, i32
  }
  func.func @transform_1(%arg0: i32, %arg1: i32) -> (i32, i32) {
    %c0_i32 = arith.constant 0 : i32
    %c0_i32_0 = arith.constant 0 : i32
    return %c0_i32, %arg0 : i32, i32
  }
  func.func @transform_2(%arg0: i32, %arg1: i32) -> (i32, i32) {
    %c0_i32 = arith.constant 0 : i32
    %c0_i32_0 = arith.constant 0 : i32
    return %arg1, %c0_i32 : i32, i32
  }
  func.func @transform_3(%arg0: i32, %arg1: i32) -> (i32, i32) {
    %mul3A = arith.constant 10 : i32
    %mul3A_0 = arith.muli %arg0, %mul3A : i32
    %add3A = arith.addi %mul3A_0, %arg1 : i32
    %c0_i32 = arith.constant 0 : i32
    %c0_i32_1 = arith.constant 0 : i32
    return %add3A, %c0_i32 : i32, i32
  }
}

module attributes {stable_mosaic.version = 14 : i64} {
  func.func @_mm2_body(%arg0: i32, %arg1: memref<1024x128xf32, #tpu.memory_space<vmem>>, %arg2: memref<1024x128xf32, #tpu.memory_space<vmem>>, %arg3: memref<1024x128xf32, #tpu.memory_space<vmem>>, %arg4: memref<256x128xf32, #tpu.memory_space<vmem>>, %arg5: memref<8x256xf32, #tpu.memory_space<vmem>>, %arg6: memref<1024x128xf32, #tpu.memory_space<vmem>>) attributes {dimension_semantics = [#tpu.dimension_semantics<arbitrary>], iteration_bounds = array<i64: 10>, scalar_prefetch = 0 : i64, scratch_operands = 0 : i64, tpu.core_type = #tpu.core_type<tc>, window_params = [{transform_indices = @transform_0, window_bounds = array<i64: 1024, 128>}, {transform_indices = @transform_1, window_bounds = array<i64: 1024, 128>}, {transform_indices = @transform_2, window_bounds = array<i64: 1024, 128>}, {pipeline_mode = #tpu.pipeline_mode<synchronous>, transform_indices = @transform_3, window_bounds = array<i64: 256, 128>}, {pipeline_mode = #tpu.pipeline_mode<synchronous>, transform_indices = @transform_4, window_bounds = array<i64: 8, 256>}, {transform_indices = @transform_5, window_bounds = array<i64: 1024, 128>}]} {
    %get3A = arith.constant 0 : index
    %get3A_0 = arith.constant 0 : index
    %get3A_1 = vector.load %arg3[%get3A, %get3A_0] : memref<1024x128xf32, #tpu.memory_space<vmem>>, vector<1024x128xf32>
    %get3A_2 = arith.constant 0 : index
    %get3A_3 = arith.constant 0 : index
    %get3A_4 = vector.load %arg1[%get3A_2, %get3A_3] : memref<1024x128xf32, #tpu.memory_space<vmem>>, vector<1024x128xf32>
    %mul3A = arith.mulf %get3A_4, %get3A_1 : vector<1024x128xf32>
    %get3A_5 = arith.constant 0 : index
    %get3A_6 = arith.constant 0 : index
    %get3A_7 = vector.load %arg5[%get3A_5, %get3A_6] : memref<8x256xf32, #tpu.memory_space<vmem>>, vector<1x128xf32>
    %add3A = vector.broadcast %get3A_7 : vector<1x128xf32> to vector<1024x128xf32>
    %add3A_8 = arith.addf %mul3A, %add3A : vector<1024x128xf32>
    %max3A = arith.constant 0.000000e+00 : f32
    %max3A_9 = vector.broadcast %max3A : f32 to vector<1024x128xf32>
    %max3A_10 = arith.maximumf %add3A_8, %max3A_9 : vector<1024x128xf32>
    %get3A_11 = arith.constant 0 : index
    %get3A_12 = arith.constant 0 : index
    %get3A_13 = vector.load %arg2[%get3A_11, %get3A_12] : memref<1024x128xf32, #tpu.memory_space<vmem>>, vector<1024x128xf32>
    %mul3A_14 = arith.mulf %get3A_13, %get3A_1 : vector<1024x128xf32>
    %get3A_15 = arith.constant 0 : index
    %get3A_16 = arith.constant 128 : index
    %get3A_17 = vector.load %arg5[%get3A_15, %get3A_16] : memref<8x256xf32, #tpu.memory_space<vmem>>, vector<1x128xf32>
    %add3A_18 = vector.broadcast %get3A_17 : vector<1x128xf32> to vector<1024x128xf32>
    %add3A_19 = arith.addf %mul3A_14, %add3A_18 : vector<1024x128xf32>
    %max3A_20 = arith.constant 0.000000e+00 : f32
    %max3A_21 = vector.broadcast %max3A_20 : f32 to vector<1024x128xf32>
    %max3A_22 = arith.maximumf %add3A_19, %max3A_21 : vector<1024x128xf32>
    %get3A_23 = arith.constant 0 : index
    %get3A_24 = arith.constant 0 : index
    %get3A_25 = vector.load %arg4[%get3A_23, %get3A_24] : memref<256x128xf32, #tpu.memory_space<vmem>>, vector<128x128xf32>
    %dot_general3A = arith.constant dense<0.000000e+00> : vector<1024x128xf32>
    %dot_general3A_26 = tpu.matmul %max3A_10, %get3A_25, %dot_general3A {dimension_numbers = #tpu.dot_dimension_numbers<[1], [0], [0], [1], [0, 0, 1, 1], [], []>, transpose_lhs_hint = false} : vector<1024x128xf32>, vector<128x128xf32>, vector<1024x128xf32> -> vector<1024x128xf32>
    %get3A_27 = arith.constant 128 : index
    %get3A_28 = arith.constant 0 : index
    %get3A_29 = vector.load %arg4[%get3A_27, %get3A_28] : memref<256x128xf32, #tpu.memory_space<vmem>>, vector<128x128xf32>
    %dot_general3A_30 = arith.constant dense<0.000000e+00> : vector<1024x128xf32>
    %dot_general3A_31 = tpu.matmul %max3A_22, %get3A_29, %dot_general3A_30 {dimension_numbers = #tpu.dot_dimension_numbers<[1], [0], [0], [1], [0, 0, 1, 1], [], []>, transpose_lhs_hint = false} : vector<1024x128xf32>, vector<128x128xf32>, vector<1024x128xf32> -> vector<1024x128xf32>
    %add3A_32 = arith.addf %dot_general3A_26, %dot_general3A_31 : vector<1024x128xf32>
    %mul3A_33 = arith.mulf %add3A_32, %get3A_1 : vector<1024x128xf32>
    %swap3A = arith.constant 0 : index
    %swap3A_34 = arith.constant 0 : index
    %swap3A_35 = vector.load %arg6[%swap3A, %swap3A_34] : memref<1024x128xf32, #tpu.memory_space<vmem>>, vector<1024x128xf32>
    tpu.vector_store %arg6[%swap3A, %swap3A_34], %mul3A_33 {strides = array<i32>} : memref<1024x128xf32, #tpu.memory_space<vmem>>, vector<1024x128xf32>,
    return
  }
  func.func @transform_0(%arg0: i32) -> (i32, i32) {
    %c0_i32 = arith.constant 0 : i32
    %c0_i32_0 = arith.constant 0 : i32
    return %arg0, %c0_i32 : i32, i32
  }
  func.func @transform_1(%arg0: i32) -> (i32, i32) {
    %add3A = arith.constant 10 : i32
    %add3A_0 = arith.addi %add3A, %arg0 : i32
    %c0_i32 = arith.constant 0 : i32
    %c0_i32_1 = arith.constant 0 : i32
    return %add3A_0, %c0_i32 : i32, i32
  }
  func.func @transform_2(%arg0: i32) -> (i32, i32) {
    %c0_i32 = arith.constant 0 : i32
    %c0_i32_0 = arith.constant 0 : i32
    return %arg0, %c0_i32 : i32, i32
  }
  func.func @transform_3(%arg0: i32) -> (i32, i32) {
    %c0_i32 = arith.constant 0 : i32
    %c0_i32_0 = arith.constant 0 : i32
    %c0_i32_1 = arith.constant 0 : i32
    return %c0_i32, %c0_i32_0 : i32, i32
  }
  func.func @transform_4(%arg0: i32) -> (i32, i32) {
    %c0_i32 = arith.constant 0 : i32
    %c0_i32_0 = arith.constant 0 : i32
    %c0_i32_1 = arith.constant 0 : i32
    return %c0_i32, %c0_i32_0 : i32, i32
  }
  func.func @transform_5(%arg0: i32) -> (i32, i32) {
    %c0_i32 = arith.constant 0 : i32
    %c0_i32_0 = arith.constant 0 : i32
    return %arg0, %c0_i32 : i32, i32
  }
}

module attributes {stable_mosaic.version = 14 : i64} {
  func.func @_fin_body(%arg0: i32, %arg1: memref<1024x128xf32, #tpu.memory_space<vmem>>, %arg2: memref<1024x128xf32, #tpu.memory_space<vmem>>, %arg3: memref<1024x128xf32, #tpu.memory_space<vmem>>, %arg4: memref<1024x128xf32, #tpu.memory_space<vmem>>, %arg5: memref<8x128xf32, #tpu.memory_space<vmem>>, %arg6: memref<1024x128xf32, #tpu.memory_space<vmem>>) attributes {dimension_semantics = [#tpu.dimension_semantics<arbitrary>], iteration_bounds = array<i64: 10>, scalar_prefetch = 0 : i64, scratch_operands = 0 : i64, tpu.core_type = #tpu.core_type<tc>, window_params = [{transform_indices = @transform_0, window_bounds = array<i64: 1024, 128>}, {transform_indices = @transform_1, window_bounds = array<i64: 1024, 128>}, {transform_indices = @transform_2, window_bounds = array<i64: 1024, 128>}, {transform_indices = @transform_3, window_bounds = array<i64: 1024, 128>}, {pipeline_mode = #tpu.pipeline_mode<synchronous>, transform_indices = @transform_4, window_bounds = array<i64: 8, 128>}, {transform_indices = @transform_5, window_bounds = array<i64: 1024, 128>}]} {
    %get3A = arith.constant 0 : index
    %get3A_0 = arith.constant 0 : index
    %get3A_1 = vector.load %arg1[%get3A, %get3A_0] : memref<1024x128xf32, #tpu.memory_space<vmem>>, vector<1024x128xf32>
    %get3A_2 = arith.constant 0 : index
    %get3A_3 = arith.constant 0 : index
    %get3A_4 = vector.load %arg2[%get3A_2, %get3A_3] : memref<1024x128xf32, #tpu.memory_space<vmem>>, vector<1024x128xf32>
    %add3A = arith.addf %get3A_1, %get3A_4 : vector<1024x128xf32>
    %get3A_5 = arith.constant 0 : index
    %get3A_6 = arith.constant 0 : index
    %get3A_7 = vector.load %arg3[%get3A_5, %get3A_6] : memref<1024x128xf32, #tpu.memory_space<vmem>>, vector<1024x128xf32>
    %add3A_8 = arith.addf %add3A, %get3A_7 : vector<1024x128xf32>
    %get3A_9 = arith.constant 0 : index
    %get3A_10 = arith.constant 0 : index
    %get3A_11 = vector.load %arg4[%get3A_9, %get3A_10] : memref<1024x128xf32, #tpu.memory_space<vmem>>, vector<1024x128xf32>
    %mul3A = arith.mulf %add3A_8, %get3A_11 : vector<1024x128xf32>
    %get3A_12 = arith.constant 0 : index
    %get3A_13 = arith.constant 0 : index
    %get3A_14 = vector.load %arg5[%get3A_12, %get3A_13] : memref<8x128xf32, #tpu.memory_space<vmem>>, vector<1x128xf32>
    %add3A_15 = vector.broadcast %get3A_14 : vector<1x128xf32> to vector<1024x128xf32>
    %add3A_16 = arith.addf %mul3A, %add3A_15 : vector<1024x128xf32>
    %swap3A = arith.constant 0 : index
    %swap3A_17 = arith.constant 0 : index
    %swap3A_18 = vector.load %arg6[%swap3A, %swap3A_17] : memref<1024x128xf32, #tpu.memory_space<vmem>>, vector<1024x128xf32>
    tpu.vector_store %arg6[%swap3A, %swap3A_17], %add3A_16 {strides = array<i32>} : memref<1024x128xf32, #tpu.memory_space<vmem>>, vector<1024x128xf32>,
    return
  }
  func.func @transform_0(%arg0: i32) -> (i32, i32) {
    %c0_i32 = arith.constant 0 : i32
    %c0_i32_0 = arith.constant 0 : i32
    return %arg0, %c0_i32 : i32, i32
  }
  func.func @transform_1(%arg0: i32) -> (i32, i32) {
    %add3A = arith.constant 10 : i32
    %add3A_0 = arith.addi %add3A, %arg0 : i32
    %c0_i32 = arith.constant 0 : i32
    %c0_i32_1 = arith.constant 0 : i32
    return %add3A_0, %c0_i32 : i32, i32
  }
  func.func @transform_2(%arg0: i32) -> (i32, i32) {
    %c0_i32 = arith.constant 0 : i32
    %c0_i32_0 = arith.constant 0 : i32
    return %arg0, %c0_i32 : i32, i32
  }
  func.func @transform_3(%arg0: i32) -> (i32, i32) {
    %c0_i32 = arith.constant 0 : i32
    %c0_i32_0 = arith.constant 0 : i32
    return %arg0, %c0_i32 : i32, i32
  }
  func.func @transform_4(%arg0: i32) -> (i32, i32) {
    %c0_i32 = arith.constant 0 : i32
    %c0_i32_0 = arith.constant 0 : i32
    %c0_i32_1 = arith.constant 0 : i32
    return %c0_i32, %c0_i32_0 : i32, i32
  }
  func.func @transform_5(%arg0: i32) -> (i32, i32) {
    %c0_i32 = arith.constant 0 : i32
    %c0_i32_0 = arith.constant 0 : i32
    return %arg0, %c0_i32 : i32, i32
  }
}

</mosaic_0001>

<sc_bundles>
// kernel: kernel.12.cloned.1.call-start
scs
__scs_entry_jumppad:
0x0: {  	(pc) =	sbr.rel $0x88, $3  }
0x1: {  	(tag) =	ssettag $0x0;
	lr =	simm.s32 $0x1  }
0x2: {  	[smem:$0x3F9B] =	sst lr;
	_ =	strace $0xD0000000  }
0x3: {  	_ = 	snop  }
0x4: {  	_ = 	snop  }
0x5: {  	_ = 	snop  }
0x6: {  	_ = 	snop  }
0x7: {  	_ = 	snop  }
__scs_overlays_trampoline_lowered:
0x8: {  	[smem:$0x3FAA] =	sst s0  }
0x9: {  	[smem:$0x3FAB] =	sst s1  }
0xa: {  	[smem:$0x3FAC] =	sst s2  }
0xb: {  	[smem:$0x3FAD] =	sst s3  }
0xc: {  	[smem:$0x3FAE] =	sst s4  }
0xd: {  	[smem:$0x3FAF] =	sst s5  }
0xe: {  	[smem:$0x3FB0] =	sst s6  }
0xf: {  	[smem:$0x3FB1] =	sst s7  }
0x10: {  	[smem:$0x3FB2] =	sst s8  }
0x11: {  	[smem:$0x3FB3] =	sst s9;
	s0 =	simm.s32 @!p0 $0x0  }
0x12: {  	s1 =	sld [smem:$0x3F99];
	s0 =	simm.s32 @p0 $0x1  }
0x13: {  	[smem:$0x3FB4] =	sst s0;
	s0 =	simm.s32 @!p1 $0x0  }
0x14: {  	s2 =	sld [smem:$0x3F98];
	s0 =	simm.s32 @p1 $0x1  }
0x15: {  	[smem:$0x3FB5] =	sst s0;
	s0 =	simm.s32 @!p2 $0x0  }
0x16: {  	s3 =	sld [smem:$0x3FDB];
	s0 =	simm.s32 @p2 $0x1  }
0x17: {  	s4 =	simm.s32 $0x1BF5;
	[smem:$0x3FB7] =	sst s0  }
0x18: {  	s0 =	sld [smem:$0x3F9A];
	_ =	swait.ge [sflag:s4], $0x0  }
0x19: {  	s7 =	sld [smem:$0x3F9B]  }
0x1a: {  	s8 =	sadd.s32 $0xFFFFE003, lr  }
0x1b: {  	s9 =	sadd.s32 $0xFFFFFEF7, lr;
	s5 =	simm.s32 $0xFFFFFFFF;
	p2 =	slt.u32 s8, $0xFFFFF086  }
0x1c: {  	p1 =	slt.u32 s9, $0xF7A;
	s5 =	simm.s32 @!p2 $0x0  }
0x1d: {  	s5 =	simm.s32 @p1 $0x1;
	p0 =	seq.s32 s7, s2  }
0x1e: {  	s7 =	smul.u32 @!p0 $0xF7A, s2;
	p2 =	seq.s32 @!p0 s5, $0x0  }
0x1f: {  	s9 =	smul.u32 $0xF7A, s1;
	s8 =	simm.s32 @!p0 $0x1BF5;
	p2 =	por !p2, p0  }
0x20: {  	[sflag:s8] =	ssyncset.s32 @!p0 $0xFFFFF086;
	s6 =	sadd.s32 @!p0 s3, s7;
	s7 =	simm.s32 @!p0 $0x108  }
0x21: {  	s3 =	sadd.s32 s3, s9;
	s6 =	sadd.s32 @!p0 $0x88, s6;
	s7 =	simm.s32 @p2 $0x1082  }
0x22: {  	[simem:s7], [sflag:s8] =	dma.local @!p0 [hbm:s6], $0xF7A  }
0x23: {  	s9 =	sor.u32 $0xD0000000, s2;
	s6 =	simm.s32 $0x108;
	_ =	swait.ge @!p0 [sflag:s8], $0x0  }
0x24: {  	s3 =	sadd.s32 $0x88, s3;
	s6 =	simm.s32 @!p1 $0x1082;
	[sflag:s4] =	ssyncset.s32 $0xFFFFF086  }
0x25: {  	[simem:s6], [sflag:s4] =	dma.local [hbm:s3], $0xF7A  }
0x26: {  	[smem:$0x3F9B] =	sst s1;
	(tag) =	ssettag s2;
	_ =	strace s9  }
0x27: {  	s1 =	sld [smem:$0x3FAB]  }
0x28: {  	s2 =	sld [smem:$0x3FAC]  }
0x29: {  	s4 =	sld [smem:$0x3FAE]  }
0x2a: {  	p0 =	seq.s32 s5, $0x0;
	s5 =	sld [smem:$0x3FAF]  }
0x2b: {  	s6 =	sld [smem:$0x3FB0]  }
0x2c: {  	s7 =	sld [smem:$0x3FB1]  }
0x2d: {  	s3 =	simm.s32 $0x108;
	s8 =	sld [smem:$0x3FB2]  }
0x2e: {  	s3 =	simm.s32 @!p0 $0x1082;
	s9 =	sld [smem:$0x3FB3]  }
0x2f: {  	lr =	sadd.s32 s0, s3;
	s0 =	sld [smem:$0x3FAA]  }
0x30: {  	s3 =	sld [smem:$0x3FAD]  }
0x31: {  	[smem:$0x3FB6] =	sst s10  }
0x32: {  	s10 =	sld [smem:$0x3FB4];
	_ =	sdelay $0x3  }
0x33: {  	p0 =	seq.s32 s10, $0x1;
	s10 =	sld [smem:$0x3FB6];
	_ =	sdelay $0x3  }
0x34: {  	[smem:$0x3FB6] =	sst s10  }
0x35: {  	s10 =	sld [smem:$0x3FB5];
	_ =	sdelay $0x3  }
0x36: {  	p1 =	seq.s32 s10, $0x1;
	s10 =	sld [smem:$0x3FB6];
	_ =	sdelay $0x3  }
0x37: {  	[smem:$0x3FB6] =	sst s10  }
0x38: {  	s10 =	sld [smem:$0x3FB7]  }
0x39: {  	_ = 	snop;
	(pc) =	sbr.ind lr, $3  }
0x3a: {  	_ = 	snop  }
0x3b: {  	_ = 	snop  }
0x3c: {  	p2 =	seq.s32 s10, $0x1;
	s10 =	sld [smem:$0x3FB6]  }
0x3d: {  	_ =	shalt  }
0x3e: {  	_ =	shalt  }
0x3f: {  	_ =	shalt  }
0x40: {  	_ =	shalt  }
0x41: {  	_ =	shalt  }
0x42: {  	_ =	shalt  }
0x43: {  	_ =	shalt  }
0x44: {  	_ =	shalt  }
0x45: {  	_ =	shalt  }
0x46: {  	_ =	shalt  }
0x47: {  	_ =	shalt  }
0x48: {  	_ =	shalt  }
0x49: {  	_ =	shalt  }
0x4a: {  	_ =	shalt  }
0x4b: {  	_ =	shalt  }
0x4c: {  	_ =	shalt  }
0x4d: {  	_ =	shalt  }
0x4e: {  	_ =	shalt  }
0x4f: {  	_ =	shalt  }
0x50: {  	_ =	shalt  }
0x51: {  	_ =	shalt  }
0x52: {  	_ =	shalt  }
0x53: {  	_ =	shalt  }
0x54: {  	_ =	shalt  }
0x55: {  	_ =	shalt  }
0x56: {  	_ =	shalt  }
0x57: {  	_ =	shalt  }
0x58: {  	_ =	shalt  }
0x59: {  	_ =	shalt  }
0x5a: {  	_ =	shalt  }
0x5b: {  	_ =	shalt  }
0x5c: {  	_ =	shalt  }
0x5d: {  	_ =	shalt  }
0x5e: {  	_ =	shalt  }
0x5f: {  	_ =	shalt  }
0x60: {  	_ =	shalt  }
0x61: {  	_ =	shalt  }
0x62: {  	_ =	shalt  }
0x63: {  	_ =	shalt  }
0x64: {  	_ =	shalt  }
0x65: {  	_ =	shalt  }
0x66: {  	_ =	shalt  }
0x67: {  	_ =	shalt  }
0x68: {  	_ =	shalt  }
0x69: {  	_ =	shalt  }
0x6a: {  	_ =	shalt  }
0x6b: {  	_ =	shalt  }
0x6c: {  	_ =	shalt  }
0x6d: {  	_ =	shalt  }
0x6e: {  	_ =	shalt  }
0x6f: {  	_ =	shalt  }
0x70: {  	_ =	shalt  }
0x71: {  	_ =	shalt  }
0x72: {  	_ =	shalt  }
0x73: {  	_ =	shalt  }
0x74: {  	_ =	shalt  }
0x75: {  	_ =	shalt  }
0x76: {  	_ =	shalt  }
0x77: {  	_ =	shalt  }
0x78: {  	_ =	shalt  }
0x79: {  	_ =	shalt  }
0x7a: {  	_ =	shalt  }
0x7b: {  	_ =	shalt  }
0x7c: {  	_ =	shalt  }
0x7d: {  	_ =	shalt  }
0x7e: {  	_ =	shalt  }
0x7f: {  	_ =	shalt  }
0x80: {  	_ =	shalt  }
0x81: {  	_ =	shalt  }
0x82: {  	_ =	shalt  }
0x83: {  	_ =	shalt  }
0x84: {  	_ =	shalt  }
0x85: {  	_ =	shalt  }
0x86: {  	_ =	shalt  }
0x87: {  	_ =	shalt  }
.Lfunc_end0:
.L_simem_size_0:
called_computation.1_lowered:
.L_overlay_start_0:
0x88: {  	s2 =	sld [smem:$0x3FD9]  }
0x89: {  	s3 =	sld [smem:$0x3FFE];
	_ =	sdelay $0x1  }
0x8a: {  	s1 =	srdreg.scid  }
0x8b: {  	s0 =	sand.u32 $0x1, s1  }
0x8c: {  	s17 =	sshll.u32 s0, $0xA;
	s2 =	sadd.s32 s3, s2  }
0x8d: {  	s2 =	sadd.s32 s2, s17  }
0x8e: {  	[smem:$0x3FC2] =	sst s2  }
0x8f: {  	_ = 	snop  }
0x90: {  	s2 =	sld [smem:$0x3FD0];
	(tm) =	ssettm $0x1  }
0x91: {  	s18 =	sld [smem:$0x3FFB];
	_ =	sdelay $0x3  }
0x92: {  	_ =	strace s18  }
0x93: {  	s3 =	sld [smem:$0x3FFC];
	_ =	sdelay $0x3  }
0x94: {  	_ =	strace s3  }
0x95: {  	s3 =	sld [smem:$0x3FFD];
	_ =	sdelay $0x3  }
0x96: {  	_ =	strace s3  }
0x97: {  	_ =	strace $0x8FFFFFFF  }
0x98: {  	s19 =	sld [smem:$0x3FDB];
	_ =	sdelay $0x1  }
0x99: {  	s4 =	simm.s32 $_scs_section_size  }
0x9a: {  	s5 =	simm.s32 $_size__tile_overlayer_lowered;
	s6 =	simm.s32 $_tile_overlayer_lowered  }
0x9b: {  	s22 =	simm.s32 $0x1BFF;
	s21 =	sshll.u32 s6, $0x1;
	s3 =	sadd.s32 s4, s19  }
0x9c: {  	s7 =	simm.s32 $0x0;
	s20 =	sshll.u32 s5, $0x1;
	s5 =	sadd.s32 s21, s3  }
0x9d: {  	[timem:s7], [sflag:s22] =	dma.local [hbm:s5], s20  }
0x9e: {  	_ =	swait.ge [sflag:s22], s20  }
0x9f: {  	s4 =	ssub.s32 $0x0, s20;
	[sflag:s22] =	ssyncset.done $0x0  }
0xa0: {  	[sflag:s22] =	ssyncadd.s32 s4;
	_ =	sdelay $0x1  }
0xa1: {  	s23 =	simm.s32 $0x1B8B  }
0xa2: {  	_ =	swait.ge [sflag:s23], $0x1  }
0xa3: {  	[sflag:s23] =	ssyncset.done $0x0  }
0xa4: {  	s25 =	simm.s32 $0x1B8E;
	s24 =	sld [smem:$0x3FFE];
	[sflag:s23] =	ssyncadd.s32 $0xFFFFFFFF  }
0xa5: {  	s26 =	simm.s32 $execute0_lowered;
	[smem:$0x3FD2] =	sst s25  }
0xa6: {  	s5 =	sshll.u32 s26, $0x1;
	_ =	strace $0x80000049;
	[dreg:$0x1] =	wrdreg $0xFFFFFFFF  }
0xa7: {  	s28 =	simm.s32 $_size_execute0_lowered;
	s3 =	sadd.s32 s3, s5;
	[dreg:$0x0] =	wrdreg $0x0  }
0xa8: {  	s5 =	sshll.u32 s28, $0x1;
	[dreg:$0x2] =	wrdreg s3  }
0xa9: {  	[dreg:$0x3] =	wrdreg s5  }
0xaa: {  	[dreg:$0x4] =	wrdreg $0xC0  }
0xab: {  	_ =	task [dreg:s7], $0x5FFFF  }
0xac: {  	[dreg:$0x1] =	wrdreg $0xFFFFFFFF  }
0xad: {  	[dreg:$0x0] =	wrdreg $0x60  }
0xae: {  	[dreg:$0x2] =	wrdreg s24  }
0xaf: {  	[dreg:$0x3] =	wrdreg s2  }
0xb0: {  	[dreg:$0x4] =	wrdreg $0x41000  }
0xb1: {  	[dreg:$0x5] =	wrdreg $0x9  }
0xb2: {  	_ =	task.clear_ibuf [dreg:s7], $0x6FFFF;
	_ =	strace $0x90000049  }
0xb3: {  	s29 =	simm.s32 $0x9;
	_ =	strace $0x8000004B  }
0xb4: {  	_ =	swait.ge [sflag:s29], $0x1  }
0xb5: {  	[sflag:s29] =	ssyncadd.s32 $0xFFFFFFFF  }
0xb6: {  	_ =	strace $0x9000004B  }
0xb7: {  	_ =	sfence  }
0xb8: {  	s30 =	sld [smem:$0x0];
	_ =	sdelay $0x2  }
0xb9: {  	s31 =	sshll.u32 s1, $0xD;
	s1 =	sshrl.u32 s1, $0x2  }
0xba: {  	s3 =	sand.u32 $0x4000, s31;
	s1 =	sadd.s32 s1, s30  }
0xbb: {  	s0 =	sor.u32 s3, s0;
	s1 =	sshll.u32 s1, $0x11  }
0xbc: {  	s0 =	sor.u32 s1, s0  }
0xbd: {  	s0 =	sadd.s32 $0x8F2B, s0  }
0xbe: {  	[sflag:s0] =	ssyncadd.remote.s32 $0x1  }
0xbf: {  	_ =	sfence.sel $0xFFFF  }
0xc0: {  	[dreg:$0x0] =	wrdreg $0xFFFFFFFF;
	(pc) =	sbr.abs _section_cstart, $3  }
0xc1: {  	[dreg:$0x1] =	wrdreg $0xFFFFFFFF  }
0xc2: {  	_ =	task.clear_ibuf [dreg:s7], $0x2FFFF;
	_ =	strace $0x9FFFFFFF  }
0xc3: {  	(tm) =	ssettm $0x7FFFFFFF  }
tec
execute0_lowered:
.L_overlay_start_1:
0x0: {  	(tag) =	ssettag $0x1  }
0x1: {  	s5 =	rddreg [dreg:$0x0]  }
0x2: {  	s8 =	rddreg [dreg:$0x1]  }
0x3: {  	s1 =	rddreg [dreg:$0x2];
	s2 =	srdreg.scid  }
0x4: {  	s0 =	rddreg [dreg:$0x3];
	s3 =	simm.s32 $0x0;
	s7 =	sand.u32 $0x1, s2  }
0x5: {  	s15 =	simm.s32 $0x1;
	s2 =	stileid.u32;
	s6 =	smul.u32 $0x2800, s7  }
0x6: {  	s16 =	simm.s32 $0x0;
	[smem:$0x7FF] =	sst s3;
	s9 =	smul.u32 $0x280, s2  }
0x7: {  	s4 =	sadd.s32 $0x1FE00, s5;
	_ =	strace $0x8000004A;
	s10 =	smul.u32 $0x9E0, s2  }
0x8: {  	s26 =	ssub.s32 $0x2, s7;
	s12 =	smul.u32 $0x50000, s2;
	s29 =	sshll.u32 s2, $0x6  }
0x9: {  	s30 =	smul.u32 $0x13C0, s2;
	s31 =	sshll.u32 s7, $0x4;
	s11 =	sshrl.u32 s26, $0x1  }
0xa: {  	s6 =	sadd.s32 s9, s6;
	s10 =	sadd.s32 s10, s5;
	s9 =	ssub.s32 s26, s11  }
0xb: {  	s28 =	sshrl.u32 s12, $0x2;
	s12 =	sadd.s32 s30, s8;
	s6 =	sshll.u32 s6, $0x4  }
0xc: {  	s14 =	sadd.s32 s28, s1;
	s8 =	smax.u32 s9, $0x1;
	s9 =	sadd.s32 $0x2200, s10  }
0xd: {  	s10 =	sadd.s32 s31, s12;
	s12 =	simm.s32 $0x2;
	s13 =	sadd.s32 s6, s5  }
0xe: {  	s5 =	sadd.s32 s4, s6;
	s6 =	sor.u32 $0x1C02, s29;
	s11 =	sshrl.u32 s14, $0x3  }
0xf: {  	s14 =	simm.s32 $0x100;
	s7 =	sadd.s32 $0x6FE00, s13;
	s13 =	simm.s32 $0x80  }
.LBB2_1:
0x10: {  	[spmem:s11], [sflag:s6] =	dma.local [hbm:s5], $0x2800  }
0x11: {  	_ =	swait.ge [sflag:s12], $0x2800  }
0x12: {  	[sflag:s12] =	ssyncset.done $0x0  }
0x13: {  	[sflag:s12] =	ssyncadd.s32 $0xFFFFD800  }
0x14: {  	[bflag:$0x0] =	sbarrier.arrive $0xFFFF  }
0x15: {  	[tilespmem:s3], [sflag:$0x2] =	stream.linear.gather [hbm4b:s10+s3], $0x80, $0x38;
	[tilespmem:$0x18100] =	vst v63  }
0x16: {  	_ =	swait.ge [sflag:s12], $0x80  }
0x17: {  	[sflag:s12] =	ssyncset.done $0x0  }
0x18: {  	s17 =	sadd.s32 $0x0, s9;
	[sflag:s12] =	ssyncadd.s32 $0xFFFFFF80  }
0x19: {  	[tilespmem:s13], [sflag:$0x2] =	stream.linear.gather [hbm4b:s17+s3], $0x80, $0x38;
	[tilespmem:$0x18100] =	vst v63  }
0x1a: {  	_ =	swait.ge [sflag:s12], $0x80  }
0x1b: {  	[sflag:s12] =	ssyncset.done $0x0  }
0x1c: {  	[sflag:s12] =	ssyncadd.s32 $0xFFFFFF80  }
0x1d: {  	[tilespmem:s14], [sflag:$0x1] =	stream.indirect.gather [hbm4b:s4+s13], $0x80, s3, s13, $0xb8;
	[tilespmem:$0x18100] =	vst v63  }
0x1e: {  	_ =	swait.ge [sflag:s15], $0x4000  }
0x1f: {  	[sflag:s15] =	ssyncset.done $0x0  }
0x20: {  	[sflag:s15] =	ssyncadd.s32 $0xFFFFC000  }
0x21: {  	[spmem:s1] =	stream.indirect.scatter.add.f32 [tilespmem:s14], [sflag:$0x2], $0x80, s13, s13, $0xb8;
	[tilespmem:$0x18100] =	vst v63  }
0x22: {  	_ =	swait.ge [sflag:s12], $0x4000  }
0x23: {  	s18 =	smov.u32 s10;
	s17 =	simm.s32 $0x10;
	[sflag:s12] =	ssyncset.done $0x0  }
.LBB2_2:
0x24: {  	p0 =	sne.s32 s17, $0x9D0;
	[sflag:s12] =	ssyncadd.s32 $0xFFFFC000;
	s18 =	sadd.s32 $0x20, s18  }
0x25: {  	[tilespmem:s3], [sflag:$0x2] =	stream.linear.gather [hbm4b:s18+s3], $0x80, $0x38;
	[tilespmem:$0x18100] =	vst v63  }
0x26: {  	s19 =	smov.u32 s17;
	s17 =	sadd.s32 $0x10, s17;
	_ =	swait.ge [sflag:s12], $0x80  }
0x27: {  	[sflag:s12] =	ssyncset.done $0x0  }
0x28: {  	s19 =	sadd.s32 s19, s9;
	[sflag:s12] =	ssyncadd.s32 $0xFFFFFF80  }
0x29: {  	[tilespmem:s13], [sflag:$0x2] =	stream.linear.gather [hbm4b:s19+s3], $0x80, $0x38;
	[tilespmem:$0x18100] =	vst v63  }
0x2a: {  	_ =	swait.ge [sflag:s12], $0x80  }
0x2b: {  	[sflag:s12] =	ssyncset.done $0x0  }
0x2c: {  	[sflag:s12] =	ssyncadd.s32 $0xFFFFFF80  }
0x2d: {  	[tilespmem:s14], [sflag:$0x1] =	stream.indirect.gather [hbm4b:s4+s13], $0x80, s3, s13, $0xb8;
	[tilespmem:$0x18100] =	vst v63  }
0x2e: {  	_ =	swait.ge [sflag:s15], $0x4000  }
.Ltmp0:
0x2f: {  	[sflag:s15] =	ssyncset.done $0x0;
	(pc) =	sbr.rel @p0 .LBB2_2-.Ltmp0, $4  }
0x30: {  	[sflag:s15] =	ssyncadd.s32 $0xFFFFC000  }
0x31: {  	[spmem:s1] =	stream.indirect.scatter.add.f32 [tilespmem:s14], [sflag:$0x2], $0x80, s13, s13, $0xb8;
	[tilespmem:$0x18100] =	vst v63  }
0x32: {  	_ =	swait.ge [sflag:s12], $0x4000  }
0x33: {  	[sflag:s12] =	ssyncset.done $0x0  }
0x34: {  	s16 =	sadd.s32 $0x1, s16  }
0x35: {  	[sflag:s12] =	ssyncadd.s32 $0xFFFFC000;
	p0 =	sne.s32 s16, s8  }
.Ltmp1:
0x36: {  	[bflag:$0x0] =	sbarrier.arrive $0xFFFF;
	(pc) =	sbr.rel @p0 .LBB2_1-.Ltmp1, $4  }
0x37: {  	[hbm:s7], [sflag:s6] =	dma.local [spmem:s11], $0x2800  }
0x38: {  	_ =	swait.ge [sflag:s12], $0x2800  }
0x39: {  	[sflag:s12] =	ssyncset.done $0x0  }
0x3a: {  	[sflag:s12] =	ssyncadd.s32 $0xFFFFD800  }
0x3b: {  	_ =	sfence.sel $0x180000  }
0x3c: {  	[bflag:$0x0] =	sbarrier.arrive $0xFFFF  }
0x3d: {  	p0 =	sne.s32 s2, $0x0;
	_ =	strace $0x9000004A  }
0x3e: {  	s0 =	sadd.s32 @!p0 $0x100000, s0;
	[bflag:$0x2] =	sbarrier.arrive $0xFFFF  }
0x3f: {  	[sflag:s0] =	ssyncadd.tile.s32 @!p0 $0x1;
	_ =	shalt  }
.Lfunc_end2:
_tile_overlayer_lowered:
.L_overlay_start_2:
0x40: {  	(tag) =	ssettag $0x2  }
0x41: {  	s0 =	rddreg [dreg:$0x0];
	s2 =	stileid.u32  }
0x42: {  	s1 =	rddreg [dreg:$0x1];
	p0 =	sne.s32 s2, $0x0  }
0x43: {  	s3 =	rddreg [dreg:$0x2];
	[bflag:$0x3] =	sbarrier.arrive $0xFFFF;
	s2 =	simm.s32 @!p0 $0x1C02  }
0x44: {  	[timem:s3], [sflag:s2] =	dma.local @!p0 [hbm:s0], s1  }
0x45: {  	s0 =	simm.s32 @!p0 $0x2  }
0x46: {  	_ =	swait.ge @!p0 [sflag:s0], s1  }
0x47: {  	s1 =	ssub.s32 @!p0 $0x0, s1;
	[sflag:s0] =	ssyncset.done @!p0 $0x0  }
0x48: {  	[sflag:s0] =	ssyncadd.s32 @!p0 s1  }
0x49: {  	[bflag:$0x3] =	sbarrier.arrive $0xFFFF  }
0x4a: {  	_ =	shalt  }

// kernel: kernel.15.cloned.1.call-start
scs
__scs_entry_jumppad:
0x0: {  	(pc) =	sbr.rel $0x88, $3  }
0x1: {  	(tag) =	ssettag $0x0;
	lr =	simm.s32 $0x1  }
0x2: {  	[smem:$0x3F9B] =	sst lr;
	_ =	strace $0xD0000000  }
0x3: {  	_ = 	snop  }
0x4: {  	_ = 	snop  }
0x5: {  	_ = 	snop  }
0x6: {  	_ = 	snop  }
0x7: {  	_ = 	snop  }
__scs_overlays_trampoline_lowered:
0x8: {  	[smem:$0x3FAA] =	sst s0  }
0x9: {  	[smem:$0x3FAB] =	sst s1  }
0xa: {  	[smem:$0x3FAC] =	sst s2  }
0xb: {  	[smem:$0x3FAD] =	sst s3  }
0xc: {  	[smem:$0x3FAE] =	sst s4  }
0xd: {  	[smem:$0x3FAF] =	sst s5  }
0xe: {  	[smem:$0x3FB0] =	sst s6  }
0xf: {  	[smem:$0x3FB1] =	sst s7  }
0x10: {  	[smem:$0x3FB2] =	sst s8  }
0x11: {  	[smem:$0x3FB3] =	sst s9;
	s0 =	simm.s32 @!p0 $0x0  }
0x12: {  	s1 =	sld [smem:$0x3F99];
	s0 =	simm.s32 @p0 $0x1  }
0x13: {  	[smem:$0x3FB4] =	sst s0;
	s0 =	simm.s32 @!p1 $0x0  }
0x14: {  	s2 =	sld [smem:$0x3F98];
	s0 =	simm.s32 @p1 $0x1  }
0x15: {  	[smem:$0x3FB5] =	sst s0;
	s0 =	simm.s32 @!p2 $0x0  }
0x16: {  	s3 =	sld [smem:$0x3FDB];
	s0 =	simm.s32 @p2 $0x1  }
0x17: {  	s4 =	simm.s32 $0x1BF5;
	[smem:$0x3FB7] =	sst s0  }
0x18: {  	s0 =	sld [smem:$0x3F9A];
	_ =	swait.ge [sflag:s4], $0x0  }
0x19: {  	s7 =	sld [smem:$0x3F9B]  }
0x1a: {  	s8 =	sadd.s32 $0xFFFFE003, lr  }
0x1b: {  	s9 =	sadd.s32 $0xFFFFFEF7, lr;
	s5 =	simm.s32 $0xFFFFFFFF;
	p2 =	slt.u32 s8, $0xFFFFF086  }
0x1c: {  	p1 =	slt.u32 s9, $0xF7A;
	s5 =	simm.s32 @!p2 $0x0  }
0x1d: {  	s5 =	simm.s32 @p1 $0x1;
	p0 =	seq.s32 s7, s2  }
0x1e: {  	s7 =	smul.u32 @!p0 $0xF7A, s2;
	p2 =	seq.s32 @!p0 s5, $0x0  }
0x1f: {  	s9 =	smul.u32 $0xF7A, s1;
	s8 =	simm.s32 @!p0 $0x1BF5;
	p2 =	por !p2, p0  }
0x20: {  	[sflag:s8] =	ssyncset.s32 @!p0 $0xFFFFF086;
	s6 =	sadd.s32 @!p0 s3, s7;
	s7 =	simm.s32 @!p0 $0x108  }
0x21: {  	s3 =	sadd.s32 s3, s9;
	s6 =	sadd.s32 @!p0 $0x88, s6;
	s7 =	simm.s32 @p2 $0x1082  }
0x22: {  	[simem:s7], [sflag:s8] =	dma.local @!p0 [hbm:s6], $0xF7A  }
0x23: {  	s9 =	sor.u32 $0xD0000000, s2;
	s6 =	simm.s32 $0x108;
	_ =	swait.ge @!p0 [sflag:s8], $0x0  }
0x24: {  	s3 =	sadd.s32 $0x88, s3;
	s6 =	simm.s32 @!p1 $0x1082;
	[sflag:s4] =	ssyncset.s32 $0xFFFFF086  }
0x25: {  	[simem:s6], [sflag:s4] =	dma.local [hbm:s3], $0xF7A  }
0x26: {  	[smem:$0x3F9B] =	sst s1;
	(tag) =	ssettag s2;
	_ =	strace s9  }
0x27: {  	s1 =	sld [smem:$0x3FAB]  }
0x28: {  	s2 =	sld [smem:$0x3FAC]  }
0x29: {  	s4 =	sld [smem:$0x3FAE]  }
0x2a: {  	p0 =	seq.s32 s5, $0x0;
	s5 =	sld [smem:$0x3FAF]  }
0x2b: {  	s6 =	sld [smem:$0x3FB0]  }
0x2c: {  	s7 =	sld [smem:$0x3FB1]  }
0x2d: {  	s3 =	simm.s32 $0x108;
	s8 =	sld [smem:$0x3FB2]  }
0x2e: {  	s3 =	simm.s32 @!p0 $0x1082;
	s9 =	sld [smem:$0x3FB3]  }
0x2f: {  	lr =	sadd.s32 s0, s3;
	s0 =	sld [smem:$0x3FAA]  }
0x30: {  	s3 =	sld [smem:$0x3FAD]  }
0x31: {  	[smem:$0x3FB6] =	sst s10  }
0x32: {  	s10 =	sld [smem:$0x3FB4];
	_ =	sdelay $0x3  }
0x33: {  	p0 =	seq.s32 s10, $0x1;
	s10 =	sld [smem:$0x3FB6];
	_ =	sdelay $0x3  }
0x34: {  	[smem:$0x3FB6] =	sst s10  }
0x35: {  	s10 =	sld [smem:$0x3FB5];
	_ =	sdelay $0x3  }
0x36: {  	p1 =	seq.s32 s10, $0x1;
	s10 =	sld [smem:$0x3FB6];
	_ =	sdelay $0x3  }
0x37: {  	[smem:$0x3FB6] =	sst s10  }
0x38: {  	s10 =	sld [smem:$0x3FB7]  }
0x39: {  	_ = 	snop;
	(pc) =	sbr.ind lr, $3  }
0x3a: {  	_ = 	snop  }
0x3b: {  	_ = 	snop  }
0x3c: {  	p2 =	seq.s32 s10, $0x1;
	s10 =	sld [smem:$0x3FB6]  }
0x3d: {  	_ =	shalt  }
0x3e: {  	_ =	shalt  }
0x3f: {  	_ =	shalt  }
0x40: {  	_ =	shalt  }
0x41: {  	_ =	shalt  }
0x42: {  	_ =	shalt  }
0x43: {  	_ =	shalt  }
0x44: {  	_ =	shalt  }
0x45: {  	_ =	shalt  }
0x46: {  	_ =	shalt  }
0x47: {  	_ =	shalt  }
0x48: {  	_ =	shalt  }
0x49: {  	_ =	shalt  }
0x4a: {  	_ =	shalt  }
0x4b: {  	_ =	shalt  }
0x4c: {  	_ =	shalt  }
0x4d: {  	_ =	shalt  }
0x4e: {  	_ =	shalt  }
0x4f: {  	_ =	shalt  }
0x50: {  	_ =	shalt  }
0x51: {  	_ =	shalt  }
0x52: {  	_ =	shalt  }
0x53: {  	_ =	shalt  }
0x54: {  	_ =	shalt  }
0x55: {  	_ =	shalt  }
0x56: {  	_ =	shalt  }
0x57: {  	_ =	shalt  }
0x58: {  	_ =	shalt  }
0x59: {  	_ =	shalt  }
0x5a: {  	_ =	shalt  }
0x5b: {  	_ =	shalt  }
0x5c: {  	_ =	shalt  }
0x5d: {  	_ =	shalt  }
0x5e: {  	_ =	shalt  }
0x5f: {  	_ =	shalt  }
0x60: {  	_ =	shalt  }
0x61: {  	_ =	shalt  }
0x62: {  	_ =	shalt  }
0x63: {  	_ =	shalt  }
0x64: {  	_ =	shalt  }
0x65: {  	_ =	shalt  }
0x66: {  	_ =	shalt  }
0x67: {  	_ =	shalt  }
0x68: {  	_ =	shalt  }
0x69: {  	_ =	shalt  }
0x6a: {  	_ =	shalt  }
0x6b: {  	_ =	shalt  }
0x6c: {  	_ =	shalt  }
0x6d: {  	_ =	shalt  }
0x6e: {  	_ =	shalt  }
0x6f: {  	_ =	shalt  }
0x70: {  	_ =	shalt  }
0x71: {  	_ =	shalt  }
0x72: {  	_ =	shalt  }
0x73: {  	_ =	shalt  }
0x74: {  	_ =	shalt  }
0x75: {  	_ =	shalt  }
0x76: {  	_ =	shalt  }
0x77: {  	_ =	shalt  }
0x78: {  	_ =	shalt  }
0x79: {  	_ =	shalt  }
0x7a: {  	_ =	shalt  }
0x7b: {  	_ =	shalt  }
0x7c: {  	_ =	shalt  }
0x7d: {  	_ =	shalt  }
0x7e: {  	_ =	shalt  }
0x7f: {  	_ =	shalt  }
0x80: {  	_ =	shalt  }
0x81: {  	_ =	shalt  }
0x82: {  	_ =	shalt  }
0x83: {  	_ =	shalt  }
0x84: {  	_ =	shalt  }
0x85: {  	_ =	shalt  }
0x86: {  	_ =	shalt  }
0x87: {  	_ =	shalt  }
.Lfunc_end0:
.L_simem_size_0:
called_computation.2_lowered:
.L_overlay_start_0:
0x88: {  	s2 =	sld [smem:$0x3FD9]  }
0x89: {  	s3 =	sld [smem:$0x3FFE];
	_ =	sdelay $0x1  }
0x8a: {  	s1 =	srdreg.scid  }
0x8b: {  	s0 =	sand.u32 $0x1, s1  }
0x8c: {  	s16 =	sshll.u32 s0, $0xA;
	s2 =	sadd.s32 s3, s2  }
0x8d: {  	s2 =	sadd.s32 s2, s16  }
0x8e: {  	[smem:$0x3FC2] =	sst s2  }
0x8f: {  	_ = 	snop  }
0x90: {  	(tm) =	ssettm $0x1  }
0x91: {  	s17 =	sld [smem:$0x3FFB];
	_ =	sdelay $0x3  }
0x92: {  	_ =	strace s17  }
0x93: {  	s2 =	sld [smem:$0x3FFC];
	_ =	sdelay $0x3  }
0x94: {  	_ =	strace s2  }
0x95: {  	s2 =	sld [smem:$0x3FFD];
	_ =	sdelay $0x3  }
0x96: {  	_ =	strace s2  }
0x97: {  	_ =	strace $0x8FFFFFFF  }
0x98: {  	s18 =	sld [smem:$0x3FDB];
	_ =	sdelay $0x1  }
0x99: {  	s19 =	simm.s32 $_scs_section_size  }
0x9a: {  	s4 =	simm.s32 $_size__tile_overlayer_lowered;
	s5 =	simm.s32 $_tile_overlayer_lowered  }
0x9b: {  	s22 =	simm.s32 $0x1BFF;
	s21 =	sshll.u32 s5, $0x1;
	s2 =	sadd.s32 s19, s18  }
0x9c: {  	s6 =	simm.s32 $0x0;
	s20 =	sshll.u32 s4, $0x1;
	s4 =	sadd.s32 s21, s2  }
0x9d: {  	[timem:s6], [sflag:s22] =	dma.local [hbm:s4], s20  }
0x9e: {  	_ =	swait.ge [sflag:s22], s20  }
0x9f: {  	s3 =	ssub.s32 $0x0, s20;
	[sflag:s22] =	ssyncset.done $0x0  }
0xa0: {  	[sflag:s22] =	ssyncadd.s32 s3;
	_ =	sdelay $0x1  }
0xa1: {  	s23 =	simm.s32 $0x1B8B  }
0xa2: {  	_ =	swait.ge [sflag:s23], $0x1  }
0xa3: {  	[sflag:s23] =	ssyncset.done $0x0  }
0xa4: {  	s25 =	simm.s32 $0x1B8E;
	s24 =	sld [smem:$0x3FFE];
	[sflag:s23] =	ssyncadd.s32 $0xFFFFFFFF  }
0xa5: {  	s26 =	simm.s32 $execute0_lowered;
	[smem:$0x3FD2] =	sst s25  }
0xa6: {  	s4 =	sshll.u32 s26, $0x1;
	_ =	strace $0x8000004C;
	[dreg:$0x1] =	wrdreg $0xFFFFFFFF  }
0xa7: {  	s28 =	simm.s32 $_size_execute0_lowered;
	s2 =	sadd.s32 s2, s4;
	[dreg:$0x0] =	wrdreg $0x0  }
0xa8: {  	s4 =	sshll.u32 s28, $0x1;
	[dreg:$0x2] =	wrdreg s2  }
0xa9: {  	[dreg:$0x3] =	wrdreg s4  }
0xaa: {  	[dreg:$0x4] =	wrdreg $0xC0  }
0xab: {  	_ =	task [dreg:s6], $0x5FFFF  }
0xac: {  	[dreg:$0x1] =	wrdreg $0xFFFFFFFF  }
0xad: {  	[dreg:$0x0] =	wrdreg $0x60  }
0xae: {  	[dreg:$0x2] =	wrdreg s24  }
0xaf: {  	[dreg:$0x3] =	wrdreg $0x41000  }
0xb0: {  	[dreg:$0x4] =	wrdreg $0x9  }
0xb1: {  	_ =	task.clear_ibuf [dreg:s6], $0x5FFFF;
	_ =	strace $0x9000004C  }
0xb2: {  	s29 =	simm.s32 $0x9;
	_ =	strace $0x8000004E  }
0xb3: {  	_ =	swait.ge [sflag:s29], $0x1  }
0xb4: {  	[sflag:s29] =	ssyncadd.s32 $0xFFFFFFFF  }
0xb5: {  	_ =	strace $0x9000004E  }
0xb6: {  	_ =	sfence  }
0xb7: {  	s30 =	sld [smem:$0x0];
	_ =	sdelay $0x2  }
0xb8: {  	s31 =	sshll.u32 s1, $0xD;
	s1 =	sshrl.u32 s1, $0x2  }
0xb9: {  	s3 =	sand.u32 $0x4000, s31;
	s1 =	sadd.s32 s1, s30  }
0xba: {  	s0 =	sor.u32 s3, s0;
	s1 =	sshll.u32 s1, $0x11  }
0xbb: {  	s0 =	sor.u32 s1, s0  }
0xbc: {  	s0 =	sadd.s32 $0x8F2B, s0  }
0xbd: {  	[sflag:s0] =	ssyncadd.remote.s32 $0x1  }
0xbe: {  	_ =	sfence.sel $0xFFFF  }
0xbf: {  	[dreg:$0x0] =	wrdreg $0xFFFFFFFF;
	(pc) =	sbr.abs _section_cstart, $3  }
0xc0: {  	[dreg:$0x1] =	wrdreg $0xFFFFFFFF  }
0xc1: {  	_ =	task.clear_ibuf [dreg:s6], $0x2FFFF;
	_ =	strace $0x9FFFFFFF  }
0xc2: {  	(tm) =	ssettm $0x7FFFFFFF  }
0xc3: {  	_ =	shalt  }
tec
execute0_lowered:
.L_overlay_start_1:
0x0: {  	(tag) =	ssettag $0x1  }
0x1: {  	s6 =	rddreg [dreg:$0x0];
	s0 =	srdreg.scid  }
0x2: {  	s2 =	rddreg [dreg:$0x1];
	s1 =	stileid.u32;
	s3 =	simm.s32 $0x0  }
0x3: {  	s14 =	simm.s32 $0x100;
	s15 =	simm.s32 $0x2;
	s7 =	smul.u32 $0x2780, s1  }
0x4: {  	s16 =	simm.s32 $0x80;
	s17 =	simm.s32 $0x1;
	s8 =	smul.u32 $0x2800, s1  }
0x5: {  	s5 =	sand.u32 $0x1, s0;
	s0 =	rddreg [dreg:$0x2];
	s9 =	smul.u32 $0x50000, s1  }
0x6: {  	s20 =	simm.s32 $0x0;
	[smem:$0x7FF] =	sst s3;
	s4 =	smul.u32 $0x27800, s5  }
0x7: {  	s18 =	sshll.u32 s1, $0x6;
	_ =	strace $0x8000004D;
	s10 =	smul.u32 $0x28000, s5  }
0x8: {  	s29 =	ssub.s32 $0x2, s5;
	s18 =	sor.u32 $0x1C02, s18;
	s30 =	sshrl.u32 s9, $0x2  }
0x9: {  	s31 =	sshrl.u32 s29, $0x1;
	s7 =	sadd.s32 s7, s4;
	s4 =	sadd.s32 $0x1FE00, s6  }
0xa: {  	s8 =	sadd.s32 s8, s10;
	s5 =	sadd.s32 s30, s2;
	s11 =	ssub.s32 s29, s31  }
0xb: {  	s7 =	sshrl.u32 s7, $0x3;
	s10 =	sadd.s32 s8, s6;
	s8 =	sadd.s32 $0xC000, s5  }
0xc: {  	s9 =	sadd.s32 $0x10000, s5;
	s11 =	smax.u32 s11, $0x1;
	s19 =	sshrl.u32 s5, $0x3  }
0xd: {  	s13 =	sadd.s32 s7, s6;
	s6 =	sadd.s32 $0x4000, s5;
	s7 =	sadd.s32 $0x8000, s5  }
0xe: {  	v0 =	vimm.f32 $0.0e+00;
	s10 =	sadd.s32 $0x47E00, s10;
	s12 =	sadd.s32 $0x2200, s13;
	s13 =	sadd.s32 $0x16000, s13  }
.LBB2_1:
0xf: {  	s21 =	simm.s32 $0x0  }
0x10: {  	s23 =	sand.u32 $0x3F80, s3;
	s22 =	sand.u32 $0x70, s21  }
0x11: {  	s21 =	simm.s32 $0x1;
	s23 =	sor.u32 s22, s23;
	s22 =	simm.s32 $0x0  }
.LBB2_2:
0x12: {  	p0 =	sne.s32 s21, $0x3FF  }
0x13: {  	[tilespmem:s23+$0x100] =	vst v0;
	s22 =	sadd.s32 $0x80, s22;
	s23 =	smov.u32 s21;
	s21 =	sadd.s32 $0x1, s21  }
.Ltmp0:
0x14: {  	(pc) =	sbr.rel @p0 .LBB2_2-.Ltmp0, $4  }
0x15: {  	_ = 	snop  }
0x16: {  	s23 =	sshrl.u32 s23, $0x3  }
0x17: {  	s24 =	sand.u32 $0x3F80, s22;
	s23 =	sand.u32 $0x70, s23  }
0x18: {  	s23 =	sor.u32 s23, s24  }
0x19: {  	[tilespmem:s23+$0x100] =	vst v0  }
0x1a: {  	[spmem:s5] =	stream.linear.scatter [tilespmem:s14], [sflag:$0x2], $0x4000, $0x38;
	[tilespmem:$0x18100] =	vst v63  }
0x1b: {  	_ =	swait.ge [sflag:s15], $0x4000  }
0x1c: {  	[sflag:s15] =	ssyncset.done $0x0  }
0x1d: {  	[sflag:s15] =	ssyncadd.s32 $0xFFFFC000  }
0x1e: {  	[spmem:s6] =	stream.linear.scatter [tilespmem:s14], [sflag:$0x2], $0x4000, $0x38;
	[tilespmem:$0x18100] =	vst v63  }
0x1f: {  	_ =	swait.ge [sflag:s15], $0x4000  }
0x20: {  	[sflag:s15] =	ssyncset.done $0x0  }
0x21: {  	[sflag:s15] =	ssyncadd.s32 $0xFFFFC000  }
0x22: {  	[spmem:s7] =	stream.linear.scatter [tilespmem:s14], [sflag:$0x2], $0x4000, $0x38;
	[tilespmem:$0x18100] =	vst v63  }
0x23: {  	_ =	swait.ge [sflag:s15], $0x4000  }
0x24: {  	[sflag:s15] =	ssyncset.done $0x0  }
0x25: {  	[sflag:s15] =	ssyncadd.s32 $0xFFFFC000  }
0x26: {  	[spmem:s8] =	stream.linear.scatter [tilespmem:s14], [sflag:$0x2], $0x4000, $0x38;
	[tilespmem:$0x18100] =	vst v63  }
0x27: {  	_ =	swait.ge [sflag:s15], $0x4000  }
0x28: {  	[sflag:s15] =	ssyncset.done $0x0  }
0x29: {  	[sflag:s15] =	ssyncadd.s32 $0xFFFFC000  }
0x2a: {  	[spmem:s9] =	stream.linear.scatter [tilespmem:s14], [sflag:$0x2], $0x4000, $0x38;
	[tilespmem:$0x18100] =	vst v63  }
0x2b: {  	_ =	swait.ge [sflag:s15], $0x4000  }
0x2c: {  	[sflag:s15] =	ssyncset.done $0x0  }
0x2d: {  	[sflag:s15] =	ssyncadd.s32 $0xFFFFC000  }
0x2e: {  	s21 =	sadd.s32 $0x0, s13;
	[bflag:$0x0] =	sbarrier.arrive $0xFFFF  }
0x2f: {  	[tilespmem:s3], [sflag:$0x2] =	stream.linear.gather [hbm4b:s21+s3], $0x80, $0x38;
	[tilespmem:$0x18100] =	vst v63  }
0x30: {  	_ =	swait.ge [sflag:s15], $0x80  }
0x31: {  	[sflag:s15] =	ssyncset.done $0x0  }
0x32: {  	s31 =	sadd.s32 $0x0, s12;
	[sflag:s15] =	ssyncadd.s32 $0xFFFFFF80  }
0x33: {  	[tilespmem:s16], [sflag:$0x2] =	stream.linear.gather [hbm4b:s31+s3], $0x80, $0x38;
	[tilespmem:$0x18100] =	vst v63  }
0x34: {  	_ =	swait.ge [sflag:s15], $0x80  }
0x35: {  	[sflag:s15] =	ssyncset.done $0x0  }
0x36: {  	[sflag:s15] =	ssyncadd.s32 $0xFFFFFF80  }
0x37: {  	[tilespmem:s14], [sflag:$0x1] =	stream.indirect.gather [hbm4b:s4+s16], $0x80, s3, s16, $0xb8;
	[tilespmem:$0x18100] =	vst v63  }
0x38: {  	_ =	swait.ge [sflag:s17], $0x4000  }
0x39: {  	[sflag:s17] =	ssyncset.done $0x0  }
0x3a: {  	[sflag:s17] =	ssyncadd.s32 $0xFFFFC000  }
0x3b: {  	[spmem:s2] =	stream.indirect.scatter.add.f32 [tilespmem:s14], [sflag:$0x2], $0x80, s16, s16, $0xb8;
	[tilespmem:$0x18100] =	vst v63  }
0x3c: {  	_ =	swait.ge [sflag:s15], $0x4000  }
0x3d: {  	s22 =	simm.s32 $0x20;
	s21 =	simm.s32 $0x10;
	[sflag:s15] =	ssyncset.done $0x0  }
.LBB2_4:
0x3e: {  	s23 =	sadd.s32 s21, s13  }
0x3f: {  	[sflag:s15] =	ssyncadd.s32 $0xFFFFC000;
	s24 =	smov.u32 s22;
	s25 =	sadd.s32 $0x10, s22  }
0x40: {  	[tilespmem:s3], [sflag:$0x2] =	stream.linear.gather [hbm4b:s23+s3], $0x80, $0x38;
	[tilespmem:$0x18100] =	vst v63  }
0x41: {  	p0 =	sne.s32 s22, $0x4E0;
	_ =	swait.ge [sflag:s15], $0x80  }
0x42: {  	[sflag:s15] =	ssyncset.done $0x0  }
0x43: {  	s22 =	sadd.s32 s21, s12;
	s21 =	smov.u32 s24;
	[sflag:s15] =	ssyncadd.s32 $0xFFFFFF80  }
0x44: {  	[tilespmem:s16], [sflag:$0x2] =	stream.linear.gather [hbm4b:s22+s3], $0x80, $0x38;
	[tilespmem:$0x18100] =	vst v63  }
0x45: {  	_ =	swait.ge [sflag:s15], $0x80  }
0x46: {  	[sflag:s15] =	ssyncset.done $0x0  }
0x47: {  	[sflag:s15] =	ssyncadd.s32 $0xFFFFFF80  }
0x48: {  	[tilespmem:s14], [sflag:$0x1] =	stream.indirect.gather [hbm4b:s4+s16], $0x80, s3, s16, $0xb8;
	[tilespmem:$0x18100] =	vst v63  }
0x49: {  	_ =	swait.ge [sflag:s17], $0x4000  }
.Ltmp1:
0x4a: {  	[sflag:s17] =	ssyncset.done $0x0;
	(pc) =	sbr.rel @p0 .LBB2_4-.Ltmp1, $4  }
0x4b: {  	[sflag:s17] =	ssyncadd.s32 $0xFFFFC000  }
0x4c: {  	[spmem:s2] =	stream.indirect.scatter.add.f32 [tilespmem:s14], [sflag:$0x2], $0x80, s16, s16, $0xb8;
	[tilespmem:$0x18100] =	vst v63  }
0x4d: {  	_ =	swait.ge [sflag:s15], $0x4000  }
0x4e: {  	s22 =	smov.u32 s25;
	[sflag:s15] =	ssyncset.done $0x0  }
0x4f: {  	s22 =	sadd.s32 s21, s13;
	[sflag:s15] =	ssyncadd.s32 $0xFFFFC000  }
0x50: {  	[tilespmem:s3], [sflag:$0x2] =	stream.linear.gather [hbm4b:s22+s3], $0x80, $0x38;
	[tilespmem:$0x18100] =	vst v63  }
0x51: {  	_ =	swait.ge [sflag:s15], $0x80  }
0x52: {  	[sflag:s15] =	ssyncset.done $0x0  }
0x53: {  	s31 =	sadd.s32 s21, s12;
	[sflag:s15] =	ssyncadd.s32 $0xFFFFFF80  }
0x54: {  	[tilespmem:s16], [sflag:$0x2] =	stream.linear.gather [hbm4b:s31+s3], $0x80, $0x38;
	[tilespmem:$0x18100] =	vst v63  }
0x55: {  	_ =	swait.ge [sflag:s15], $0x80  }
0x56: {  	[sflag:s15] =	ssyncset.done $0x0  }
0x57: {  	[sflag:s15] =	ssyncadd.s32 $0xFFFFFF80  }
0x58: {  	[tilespmem:s14], [sflag:$0x1] =	stream.indirect.gather [hbm4b:s4+s16], $0x80, s3, s16, $0xb8;
	[tilespmem:$0x18100] =	vst v63  }
0x59: {  	_ =	swait.ge [sflag:s17], $0x4000  }
0x5a: {  	[sflag:s17] =	ssyncset.done $0x0  }
0x5b: {  	[sflag:s17] =	ssyncadd.s32 $0xFFFFC000  }
0x5c: {  	[spmem:s2] =	stream.indirect.scatter.add.f32 [tilespmem:s14], [sflag:$0x2], $0x80, s16, s16, $0xb8;
	[tilespmem:$0x18100] =	vst v63  }
0x5d: {  	_ =	swait.ge [sflag:s15], $0x4000  }
0x5e: {  	s20 =	sadd.s32 $0x1, s20;
	[sflag:s15] =	ssyncset.done $0x0  }
0x5f: {  	p0 =	sne.s32 s20, s11;
	[sflag:s15] =	ssyncadd.s32 $0xFFFFC000  }
.Ltmp2:
0x60: {  	[bflag:$0x0] =	sbarrier.arrive $0xFFFF;
	(pc) =	sbr.rel @p0 .LBB2_1-.Ltmp2, $4  }
0x61: {  	[hbm:s10], [sflag:s18] =	dma.local [spmem:s19], $0x2800  }
0x62: {  	_ =	swait.ge [sflag:s15], $0x2800  }
0x63: {  	[sflag:s15] =	ssyncset.done $0x0  }
0x64: {  	[sflag:s15] =	ssyncadd.s32 $0xFFFFD800  }
0x65: {  	_ =	sfence.sel $0x180000  }
0x66: {  	[bflag:$0x0] =	sbarrier.arrive $0xFFFF  }
0x67: {  	p0 =	sne.s32 s1, $0x0;
	_ =	strace $0x9000004D  }
0x68: {  	s0 =	sadd.s32 @!p0 $0x100000, s0;
	[bflag:$0x2] =	sbarrier.arrive $0xFFFF  }
0x69: {  	[sflag:s0] =	ssyncadd.tile.s32 @!p0 $0x1;
	_ =	shalt  }
.Lfunc_end2:
_tile_overlayer_lowered:
.L_overlay_start_2:
0x6a: {  	(tag) =	ssettag $0x2  }
0x6b: {  	s0 =	rddreg [dreg:$0x0];
	s2 =	stileid.u32  }
0x6c: {  	s1 =	rddreg [dreg:$0x1];
	p0 =	sne.s32 s2, $0x0  }
0x6d: {  	s3 =	rddreg [dreg:$0x2];
	[bflag:$0x3] =	sbarrier.arrive $0xFFFF;
	s2 =	simm.s32 @!p0 $0x1C02  }
0x6e: {  	[timem:s3], [sflag:s2] =	dma.local @!p0 [hbm:s0], s1  }
0x6f: {  	s0 =	simm.s32 @!p0 $0x2  }
0x70: {  	_ =	swait.ge @!p0 [sflag:s0], s1  }
0x71: {  	s1 =	ssub.s32 @!p0 $0x0, s1;
	[sflag:s0] =	ssyncset.done @!p0 $0x0  }
0x72: {  	[sflag:s0] =	ssyncadd.s32 @!p0 s1  }
0x73: {  	[bflag:$0x3] =	sbarrier.arrive $0xFFFF  }
0x74: {  	_ =	shalt  }

// kernel: kernel.9.cloned.1.call-start
scs
__scs_entry_jumppad:
0x0: {  	(pc) =	sbr.rel $0x88, $3  }
0x1: {  	(tag) =	ssettag $0x0;
	lr =	simm.s32 $0x1  }
0x2: {  	[smem:$0x3F9B] =	sst lr;
	_ =	strace $0xD0000000  }
0x3: {  	_ = 	snop  }
0x4: {  	_ = 	snop  }
0x5: {  	_ = 	snop  }
0x6: {  	_ = 	snop  }
0x7: {  	_ = 	snop  }
__scs_overlays_trampoline_lowered:
0x8: {  	[smem:$0x3FAA] =	sst s0  }
0x9: {  	[smem:$0x3FAB] =	sst s1  }
0xa: {  	[smem:$0x3FAC] =	sst s2  }
0xb: {  	[smem:$0x3FAD] =	sst s3  }
0xc: {  	[smem:$0x3FAE] =	sst s4  }
0xd: {  	[smem:$0x3FAF] =	sst s5  }
0xe: {  	[smem:$0x3FB0] =	sst s6  }
0xf: {  	[smem:$0x3FB1] =	sst s7  }
0x10: {  	[smem:$0x3FB2] =	sst s8  }
0x11: {  	[smem:$0x3FB3] =	sst s9;
	s0 =	simm.s32 @!p0 $0x0  }
0x12: {  	s1 =	sld [smem:$0x3F99];
	s0 =	simm.s32 @p0 $0x1  }
0x13: {  	[smem:$0x3FB4] =	sst s0;
	s0 =	simm.s32 @!p1 $0x0  }
0x14: {  	s2 =	sld [smem:$0x3F98];
	s0 =	simm.s32 @p1 $0x1  }
0x15: {  	[smem:$0x3FB5] =	sst s0;
	s0 =	simm.s32 @!p2 $0x0  }
0x16: {  	s3 =	sld [smem:$0x3FDB];
	s0 =	simm.s32 @p2 $0x1  }
0x17: {  	s4 =	simm.s32 $0x1BF5;
	[smem:$0x3FB7] =	sst s0  }
0x18: {  	s0 =	sld [smem:$0x3F9A];
	_ =	swait.ge [sflag:s4], $0x0  }
0x19: {  	s7 =	sld [smem:$0x3F9B]  }
0x1a: {  	s8 =	sadd.s32 $0xFFFFE003, lr  }
0x1b: {  	s9 =	sadd.s32 $0xFFFFFEF7, lr;
	s5 =	simm.s32 $0xFFFFFFFF;
	p2 =	slt.u32 s8, $0xFFFFF086  }
0x1c: {  	p1 =	slt.u32 s9, $0xF7A;
	s5 =	simm.s32 @!p2 $0x0  }
0x1d: {  	s5 =	simm.s32 @p1 $0x1;
	p0 =	seq.s32 s7, s2  }
0x1e: {  	s7 =	smul.u32 @!p0 $0xF7A, s2;
	p2 =	seq.s32 @!p0 s5, $0x0  }
0x1f: {  	s9 =	smul.u32 $0xF7A, s1;
	s8 =	simm.s32 @!p0 $0x1BF5;
	p2 =	por !p2, p0  }
0x20: {  	[sflag:s8] =	ssyncset.s32 @!p0 $0xFFFFF086;
	s6 =	sadd.s32 @!p0 s3, s7;
	s7 =	simm.s32 @!p0 $0x108  }
0x21: {  	s3 =	sadd.s32 s3, s9;
	s6 =	sadd.s32 @!p0 $0x88, s6;
	s7 =	simm.s32 @p2 $0x1082  }
0x22: {  	[simem:s7], [sflag:s8] =	dma.local @!p0 [hbm:s6], $0xF7A  }
0x23: {  	s9 =	sor.u32 $0xD0000000, s2;
	s6 =	simm.s32 $0x108;
	_ =	swait.ge @!p0 [sflag:s8], $0x0  }
0x24: {  	s3 =	sadd.s32 $0x88, s3;
	s6 =	simm.s32 @!p1 $0x1082;
	[sflag:s4] =	ssyncset.s32 $0xFFFFF086  }
0x25: {  	[simem:s6], [sflag:s4] =	dma.local [hbm:s3], $0xF7A  }
0x26: {  	[smem:$0x3F9B] =	sst s1;
	(tag) =	ssettag s2;
	_ =	strace s9  }
0x27: {  	s1 =	sld [smem:$0x3FAB]  }
0x28: {  	s2 =	sld [smem:$0x3FAC]  }
0x29: {  	s4 =	sld [smem:$0x3FAE]  }
0x2a: {  	p0 =	seq.s32 s5, $0x0;
	s5 =	sld [smem:$0x3FAF]  }
0x2b: {  	s6 =	sld [smem:$0x3FB0]  }
0x2c: {  	s7 =	sld [smem:$0x3FB1]  }
0x2d: {  	s3 =	simm.s32 $0x108;
	s8 =	sld [smem:$0x3FB2]  }
0x2e: {  	s3 =	simm.s32 @!p0 $0x1082;
	s9 =	sld [smem:$0x3FB3]  }
0x2f: {  	lr =	sadd.s32 s0, s3;
	s0 =	sld [smem:$0x3FAA]  }
0x30: {  	s3 =	sld [smem:$0x3FAD]  }
0x31: {  	[smem:$0x3FB6] =	sst s10  }
0x32: {  	s10 =	sld [smem:$0x3FB4];
	_ =	sdelay $0x3  }
0x33: {  	p0 =	seq.s32 s10, $0x1;
	s10 =	sld [smem:$0x3FB6];
	_ =	sdelay $0x3  }
0x34: {  	[smem:$0x3FB6] =	sst s10  }
0x35: {  	s10 =	sld [smem:$0x3FB5];
	_ =	sdelay $0x3  }
0x36: {  	p1 =	seq.s32 s10, $0x1;
	s10 =	sld [smem:$0x3FB6];
	_ =	sdelay $0x3  }
0x37: {  	[smem:$0x3FB6] =	sst s10  }
0x38: {  	s10 =	sld [smem:$0x3FB7]  }
0x39: {  	_ = 	snop;
	(pc) =	sbr.ind lr, $3  }
0x3a: {  	_ = 	snop  }
0x3b: {  	_ = 	snop  }
0x3c: {  	p2 =	seq.s32 s10, $0x1;
	s10 =	sld [smem:$0x3FB6]  }
0x3d: {  	_ =	shalt  }
0x3e: {  	_ =	shalt  }
0x3f: {  	_ =	shalt  }
0x40: {  	_ =	shalt  }
0x41: {  	_ =	shalt  }
0x42: {  	_ =	shalt  }
0x43: {  	_ =	shalt  }
0x44: {  	_ =	shalt  }
0x45: {  	_ =	shalt  }
0x46: {  	_ =	shalt  }
0x47: {  	_ =	shalt  }
0x48: {  	_ =	shalt  }
0x49: {  	_ =	shalt  }
0x4a: {  	_ =	shalt  }
0x4b: {  	_ =	shalt  }
0x4c: {  	_ =	shalt  }
0x4d: {  	_ =	shalt  }
0x4e: {  	_ =	shalt  }
0x4f: {  	_ =	shalt  }
0x50: {  	_ =	shalt  }
0x51: {  	_ =	shalt  }
0x52: {  	_ =	shalt  }
0x53: {  	_ =	shalt  }
0x54: {  	_ =	shalt  }
0x55: {  	_ =	shalt  }
0x56: {  	_ =	shalt  }
0x57: {  	_ =	shalt  }
0x58: {  	_ =	shalt  }
0x59: {  	_ =	shalt  }
0x5a: {  	_ =	shalt  }
0x5b: {  	_ =	shalt  }
0x5c: {  	_ =	shalt  }
0x5d: {  	_ =	shalt  }
0x5e: {  	_ =	shalt  }
0x5f: {  	_ =	shalt  }
0x60: {  	_ =	shalt  }
0x61: {  	_ =	shalt  }
0x62: {  	_ =	shalt  }
0x63: {  	_ =	shalt  }
0x64: {  	_ =	shalt  }
0x65: {  	_ =	shalt  }
0x66: {  	_ =	shalt  }
0x67: {  	_ =	shalt  }
0x68: {  	_ =	shalt  }
0x69: {  	_ =	shalt  }
0x6a: {  	_ =	shalt  }
0x6b: {  	_ =	shalt  }
0x6c: {  	_ =	shalt  }
0x6d: {  	_ =	shalt  }
0x6e: {  	_ =	shalt  }
0x6f: {  	_ =	shalt  }
0x70: {  	_ =	shalt  }
0x71: {  	_ =	shalt  }
0x72: {  	_ =	shalt  }
0x73: {  	_ =	shalt  }
0x74: {  	_ =	shalt  }
0x75: {  	_ =	shalt  }
0x76: {  	_ =	shalt  }
0x77: {  	_ =	shalt  }
0x78: {  	_ =	shalt  }
0x79: {  	_ =	shalt  }
0x7a: {  	_ =	shalt  }
0x7b: {  	_ =	shalt  }
0x7c: {  	_ =	shalt  }
0x7d: {  	_ =	shalt  }
0x7e: {  	_ =	shalt  }
0x7f: {  	_ =	shalt  }
0x80: {  	_ =	shalt  }
0x81: {  	_ =	shalt  }
0x82: {  	_ =	shalt  }
0x83: {  	_ =	shalt  }
0x84: {  	_ =	shalt  }
0x85: {  	_ =	shalt  }
0x86: {  	_ =	shalt  }
0x87: {  	_ =	shalt  }
.Lfunc_end0:
.L_simem_size_0:
called_computation_lowered:
.L_overlay_start_0:
0x88: {  	s2 =	sld [smem:$0x3FD9]  }
0x89: {  	s3 =	sld [smem:$0x3FFE];
	_ =	sdelay $0x1  }
0x8a: {  	s1 =	srdreg.scid  }
0x8b: {  	s0 =	sand.u32 $0x1, s1  }
0x8c: {  	s16 =	sshll.u32 s0, $0xA;
	s2 =	sadd.s32 s3, s2  }
0x8d: {  	s2 =	sadd.s32 s2, s16  }
0x8e: {  	[smem:$0x3FC2] =	sst s2  }
0x8f: {  	_ = 	snop  }
0x90: {  	(tm) =	ssettm $0x1  }
0x91: {  	s17 =	sld [smem:$0x3FFB];
	_ =	sdelay $0x3  }
0x92: {  	_ =	strace s17  }
0x93: {  	s2 =	sld [smem:$0x3FFC];
	_ =	sdelay $0x3  }
0x94: {  	_ =	strace s2  }
0x95: {  	s2 =	sld [smem:$0x3FFD];
	_ =	sdelay $0x3  }
0x96: {  	_ =	strace s2  }
0x97: {  	_ =	strace $0x8FFFFFFF  }
0x98: {  	s18 =	sld [smem:$0x3FDB];
	_ =	sdelay $0x1  }
0x99: {  	s19 =	simm.s32 $_scs_section_size  }
0x9a: {  	s4 =	simm.s32 $_size__tile_overlayer_lowered;
	s5 =	simm.s32 $_tile_overlayer_lowered  }
0x9b: {  	s22 =	simm.s32 $0x1BFF;
	s21 =	sshll.u32 s5, $0x1;
	s2 =	sadd.s32 s19, s18  }
0x9c: {  	s6 =	simm.s32 $0x0;
	s20 =	sshll.u32 s4, $0x1;
	s4 =	sadd.s32 s21, s2  }
0x9d: {  	[timem:s6], [sflag:s22] =	dma.local [hbm:s4], s20  }
0x9e: {  	_ =	swait.ge [sflag:s22], s20  }
0x9f: {  	s3 =	ssub.s32 $0x0, s20;
	[sflag:s22] =	ssyncset.done $0x0  }
0xa0: {  	[sflag:s22] =	ssyncadd.s32 s3;
	_ =	sdelay $0x1  }
0xa1: {  	s23 =	simm.s32 $0x1B8B  }
0xa2: {  	_ =	swait.ge [sflag:s23], $0x1  }
0xa3: {  	[sflag:s23] =	ssyncset.done $0x0  }
0xa4: {  	s25 =	simm.s32 $0x1B8E;
	s24 =	sld [smem:$0x3FFE];
	[sflag:s23] =	ssyncadd.s32 $0xFFFFFFFF  }
0xa5: {  	s26 =	simm.s32 $execute0_lowered;
	[smem:$0x3FD2] =	sst s25  }
0xa6: {  	s4 =	sshll.u32 s26, $0x1;
	_ =	strace $0x80000046;
	[dreg:$0x1] =	wrdreg $0xFFFFFFFF  }
0xa7: {  	s28 =	simm.s32 $_size_execute0_lowered;
	s2 =	sadd.s32 s2, s4;
	[dreg:$0x0] =	wrdreg $0x0  }
0xa8: {  	s4 =	sshll.u32 s28, $0x1;
	[dreg:$0x2] =	wrdreg s2  }
0xa9: {  	[dreg:$0x3] =	wrdreg s4  }
0xaa: {  	[dreg:$0x4] =	wrdreg $0xC0  }
0xab: {  	_ =	task [dreg:s6], $0x5FFFF  }
0xac: {  	[dreg:$0x1] =	wrdreg $0xFFFFFFFF  }
0xad: {  	[dreg:$0x0] =	wrdreg $0x60  }
0xae: {  	[dreg:$0x2] =	wrdreg s24  }
0xaf: {  	[dreg:$0x3] =	wrdreg $0x9  }
0xb0: {  	_ =	task.clear_ibuf [dreg:s6], $0x4FFFF;
	_ =	strace $0x90000046  }
0xb1: {  	s29 =	simm.s32 $0x9;
	_ =	strace $0x80000048  }
0xb2: {  	_ =	swait.ge [sflag:s29], $0x1  }
0xb3: {  	[sflag:s29] =	ssyncadd.s32 $0xFFFFFFFF  }
0xb4: {  	_ =	strace $0x90000048  }
0xb5: {  	_ =	sfence  }
0xb6: {  	s30 =	sld [smem:$0x0];
	_ =	sdelay $0x2  }
0xb7: {  	s31 =	sshll.u32 s1, $0xD;
	s1 =	sshrl.u32 s1, $0x2  }
0xb8: {  	s3 =	sand.u32 $0x4000, s31;
	s1 =	sadd.s32 s1, s30  }
0xb9: {  	s0 =	sor.u32 s3, s0;
	s1 =	sshll.u32 s1, $0x11  }
0xba: {  	s0 =	sor.u32 s1, s0  }
0xbb: {  	s0 =	sadd.s32 $0x8F2B, s0  }
0xbc: {  	[sflag:s0] =	ssyncadd.remote.s32 $0x1  }
0xbd: {  	_ =	sfence.sel $0xFFFF  }
0xbe: {  	[dreg:$0x0] =	wrdreg $0xFFFFFFFF;
	(pc) =	sbr.abs _section_cstart, $3  }
0xbf: {  	[dreg:$0x1] =	wrdreg $0xFFFFFFFF  }
0xc0: {  	_ =	task.clear_ibuf [dreg:s6], $0x2FFFF;
	_ =	strace $0x9FFFFFFF  }
0xc1: {  	(tm) =	ssettm $0x7FFFFFFF  }
tec
execute0_lowered:
.L_overlay_start_1:
0x0: {  	(tag) =	ssettag $0x1  }
0x1: {  	s0 =	srdreg.scid  }
0x2: {  	s3 =	sand.u32 $0x1, s0  }
0x3: {  	s4 =	rddreg [dreg:$0x0];
	s0 =	stileid.u32;
	s1 =	sshll.u32 s3, $0x4  }
0x4: {  	s2 =	simm.s32 $0x0;
	s8 =	simm.s32 $0x80;
	s5 =	sor.u32 s0, s1  }
0x5: {  	s9 =	simm.s32 $0x400;
	[smem:$0x7FF] =	sst s2;
	s6 =	sshrl.u32 s5, $0x3  }
0x6: {  	s7 =	sshll.u32 s0, $0x7;
	s3 =	ssub.s32 $0x2, s3;
	s6 =	smul.u32 $0x14000, s6  }
0x7: {  	s1 =	rddreg [dreg:$0x1];
	s7 =	sand.u32 $0x380, s7;
	s5 =	smul.u32 $0x4F0, s5  }
0x8: {  	_ =	strace $0x80000047;
	s30 =	sshrl.u32 s3, $0x1;
	s6 =	sor.u32 s7, s6  }
0x9: {  	s31 =	ssub.s32 s3, s30;
	s5 =	sadd.s32 s5, s4;
	s6 =	sshrl.u32 s6, $0x3  }
0xa: {  	s3 =	sadd.s32 $0x2200, s5;
	s5 =	smax.u32 s31, $0x1;
	s4 =	sadd.s32 s6, s4  }
0xb: {  	v0 =	vimm.f32 $0.0e+00;
	v1 =	vimm.f32 $1.000000000e+00;
	s7 =	simm.s32 $0x2780;
	s6 =	simm.s32 $0x1;
	s4 =	sadd.s32 $0xC000, s4  }
.LBB2_1:
0xc: {  	s10 =	simm.s32 $0x40;
	s11 =	simm.s32 $0x0  }
.LBB2_2:
0xd: {  	p0 =	sne.s32 s10, $0x9FC0;
	[tilespmem:s11+$0x2780] =	vst v0;
	s11 =	smov.u32 s10;
	s10 =	sadd.s32 $0x40, s10  }
.Ltmp0:
0xe: {  	(pc) =	sbr.rel @p0 .LBB2_2-.Ltmp0, $2  }
0xf: {  	_ =	sdelay $0x2  }
0x10: {  	s11 =	sshra.s32 s11, $0x2  }
0x11: {  	[tilespmem:s11+$0x2780] =	vst v0;
	s10 =	simm.s32 $0x0  }
0x12: {  	[tilespmem:s10], [sflag:$0x1] =	stream.linear.gather [hbm4b:s3+s10], $0x2780, $0x38;
	[tilespmem:$0x4F80] =	vst v63  }
0x13: {  	_ =	swait.ge [sflag:s6], $0x2780  }
0x14: {  	[sflag:s6] =	ssyncset.done $0x0  }
0x15: {  	s11 =	simm.s32 $0x0;
	s10 =	simm.s32 $0x40;
	[sflag:s6] =	ssyncadd.s32 $0xFFFFD880  }
.LBB2_4:
0x16: {  	p0 =	sne.s32 s10, $0x9DC0;
	v2 =	vld [tilespmem:s11+$0x0];
	_ =	sdelay $0x3  }
.Ltmp1:
0x17: {  	(pc) =	sbr.rel @p0 .LBB2_4-.Ltmp1, $2  }
0x18: {  	_ =	sdelay $0x2  }
0x19: {  	s11 =	sshra.s32 s10, $0x2;
	s10 =	sadd.s32 $0x40, s10;
	[tilespmem:v2+s7+$0x0] =	vst.idx.add.f32.msk $0xffff, v1  }
0x1a: {  	v2 =	vld [tilespmem:s11+$0x0];
	_ =	sdelay $0x5  }
0x1b: {  	s2 =	sadd.s32 $0x1, s2  }
0x1c: {  	p0 =	sne.s32 s2, s5  }
.Ltmp2:
0x1d: {  	[tilespmem:v2+s7+$0x0] =	vst.idx.add.f32.msk $0xffff, v1;
	(pc) =	sbr.rel @p0 .LBB2_1-.Ltmp2, $4  }
0x1e: {  	[hbm4b:s4+s8] =	stream.strided.scatter [tilespmem:s7], [sflag:$0x1], $0x2800, s9, s8, $0x38;
	[tilespmem:$0x4F80] =	vst v63  }
0x1f: {  	_ =	swait.ge [sflag:s6], $0x2800  }
0x20: {  	[sflag:s6] =	ssyncset.done $0x0  }
0x21: {  	[sflag:s6] =	ssyncadd.s32 $0xFFFFD800  }
0x22: {  	_ =	sfence.sel $0x180000  }
0x23: {  	[bflag:$0x0] =	sbarrier.arrive $0xFFFF  }
0x24: {  	p0 =	sne.s32 s0, $0x0;
	_ =	strace $0x90000047  }
0x25: {  	s0 =	sadd.s32 @!p0 $0x100000, s1;
	[bflag:$0x2] =	sbarrier.arrive $0xFFFF  }
0x26: {  	[sflag:s0] =	ssyncadd.tile.s32 @!p0 $0x1;
	_ =	shalt  }
.Lfunc_end2:
_tile_overlayer_lowered:
.L_overlay_start_2:
0x27: {  	(tag) =	ssettag $0x2  }
0x28: {  	s0 =	rddreg [dreg:$0x0];
	s2 =	stileid.u32  }
0x29: {  	s1 =	rddreg [dreg:$0x1];
	p0 =	sne.s32 s2, $0x0  }
0x2a: {  	s3 =	rddreg [dreg:$0x2];
	[bflag:$0x3] =	sbarrier.arrive $0xFFFF;
	s2 =	simm.s32 @!p0 $0x1C01  }
0x2b: {  	[timem:s3], [sflag:s2] =	dma.local @!p0 [hbm:s0], s1  }
0x2c: {  	s0 =	simm.s32 @!p0 $0x1  }
0x2d: {  	_ =	swait.ge @!p0 [sflag:s0], s1  }
0x2e: {  	s1 =	ssub.s32 @!p0 $0x0, s1;
	[sflag:s0] =	ssyncset.done @!p0 $0x0  }
0x2f: {  	[sflag:s0] =	ssyncadd.s32 @!p0 s1  }
0x30: {  	[bflag:$0x3] =	sbarrier.arrive $0xFFFF  }
0x31: {  	_ =	shalt  }

</sc_bundles>
